<compile_context>
chip_gen: v7x
topology: tpu7x:2x2x1
jax: 0.10.2.dev20260603
libtpu: 0.0.44.dev20260713+nightly
codegen_flags: <defaults>
</compile_context>

<pallas_src>
import dataclasses

import jax
import jax.numpy as jnp
import numpy as np
from jax import lax
from jax.experimental import pallas as pl
from jax.experimental.pallas import tpu as pltpu
from jax.experimental.pallas import tpu_sc as plsc

EPS = 1e-10
PHI = (1.0 + np.sqrt(5.0)) / 2.0
PHI4 = float(PHI ** 4)
DT = float(PHI ** (-2.0))
MAGIC = 0x5F3759DF

N = 100000
E = 6400000
NW = 32
K = 256
CPW = 784
Ep = NW * K * CPW
PAD = Ep - E
Np = 100096


def _prelude_body(ell_ref, th_ref, x_ref, y_ref):
    l = ell_ref[...]
    t = th_ref[...]
    c = jnp.cos(t)
    s = jnp.sin(t)
    e = jnp.exp(l)
    x_ref[...] = jnp.sign(c) * e * (jnp.abs(c) + EPS)
    y_ref[...] = jnp.sign(s) * e * (jnp.abs(s) + EPS)


def _epilogue_body(ae0, at0, dg0, ae1, at1, dg1, ell_ref, th_ref, out_ref):
    deg = dg0[...] + dg1[...]
    inv = DT / (deg + EPS)
    out_ref[0, :] = ell_ref[...] + (ae0[...] + ae1[...]) * inv
    out_ref[1, :] = th_ref[...] + (at0[...] + at1[...]) * inv


def _rsqrt(v):
    bits = lax.bitcast_convert_type(v, jnp.int32)
    y = lax.bitcast_convert_type(MAGIC - (bits >> 1), jnp.float32)
    y = y * (1.5 - 0.5 * v * y * y)
    y = y * (1.5 - 0.5 * v * y * y)
    y = y * (1.5 - 0.5 * v * y * y)
    return y


def _make_sc_call(n_pad, k, cpw, interpret=False):
    rpt = n_pad // 16
    r = k // 128

    def _sc_body(tx_hbm, ty_hbm, tl_hbm, src_hbm, dst_hbm, zero_hbm,
                 oae0, oat0, odg0, oae1, oat1, odg1,
                 srcv, dstv, sx, sy, sl, dx_, dy_, me, mt, mc,
                 zb, acc_e, acc_t, acc_d, sem_i, sem_g):
        cid = lax.axis_index("c")
        sid = lax.axis_index("s")
        w = cid * 16 + sid
        sl_ = pl.ds(sid * rpt, rpt)

        pltpu.sync_copy(zero_hbm.at[sl_], zb)
        pltpu.sync_copy(zb, acc_e.at[sl_])
        pltpu.sync_copy(zb, acc_t.at[sl_])
        pltpu.sync_copy(zb, acc_d.at[sl_])
        plsc.subcore_barrier()

        @pl.loop(0, cpw)
        def _chunk(ci):
            row0 = (w * cpw + ci) * r
            cp_s = pltpu.async_copy(src_hbm.at[pl.ds(row0, r)], srcv, sem_i)
            cp_d = pltpu.async_copy(dst_hbm.at[pl.ds(row0, r)], dstv, sem_i)
            cp_s.wait()
            cp_d.wait()
            gathers = []
            for j in range(r):
                pj = pl.ds(j * 128, 128)
                gathers.append(pltpu.async_copy(
                    tx_hbm.at[srcv.at[j]], sx.at[pj], sem_g))
                gathers.append(pltpu.async_copy(
                    ty_hbm.at[srcv.at[j]], sy.at[pj], sem_g))
                gathers.append(pltpu.async_copy(
                    tl_hbm.at[srcv.at[j]], sl.at[pj], sem_g))
                gathers.append(pltpu.async_copy(
                    tx_hbm.at[dstv.at[j]], dx_.at[pj], sem_g))
                gathers.append(pltpu.async_copy(
                    ty_hbm.at[dstv.at[j]], dy_.at[pj], sem_g))
            for g in gathers:
                g.wait()

            @pl.loop(0, k, step=16)
            def _c16(r0):
                pv = pl.ds(r0, 16)
                Xsj = sx[pv]
                Ysj = sy[pv]
                elj = sl[pv]
                Xsi = dx_[pv]
                Ysi = dy_[pv]
                aXi = jnp.abs(Xsi)
                aXj = jnp.abs(Xsj)
                xmx = jnp.maximum(aXi, aXj)
                dx = jnp.where(Xsi * Xsj > 0,
                               xmx - jnp.minimum(aXi, aXj) + EPS * xmx,
                               aXi + aXj)
                aYi = jnp.abs(Ysi)
                aYj = jnp.abs(Ysj)
                ymx = jnp.maximum(aYi, aYj)
                dy = jnp.where(Ysi * Ysj > 0,
                               ymx - jnp.minimum(aYi, aYj) + EPS * ymx,
                               aYi + aYj)
                d2 = dx * dx + dy * dy
                coup = jnp.where(d2 < PHI4, _rsqrt(d2), 0.0)
                ii = _rsqrt((Xsi * Xsi + Ysi * Ysi) *
                            (Xsj * Xsj + Ysj * Ysj))
                sji = (Ysj * Xsi - Xsj * Ysi) * ii
                me[pv] = coup * elj
                mt[pv] = coup * sji
                mc[pv] = coup

            for j in range(r):
                pj = pl.ds(j * 128, 128)
                pltpu.sync_copy(me.at[pj], acc_e.at[dstv.at[j]], add=True)
                pltpu.sync_copy(mt.at[pj], acc_t.at[dstv.at[j]], add=True)
                pltpu.sync_copy(mc.at[pj], acc_d.at[dstv.at[j]], add=True)

        plsc.subcore_barrier()

        @pl.when(cid == 0)
        def _dump0():
            pltpu.sync_copy(acc_e.at[sl_], zb)
            pltpu.sync_copy(zb, oae0.at[sl_])
            pltpu.sync_copy(acc_t.at[sl_], zb)
            pltpu.sync_copy(zb, oat0.at[sl_])
            pltpu.sync_copy(acc_d.at[sl_], zb)
            pltpu.sync_copy(zb, odg0.at[sl_])

        @pl.when(cid == 1)
        def _dump1():
            pltpu.sync_copy(acc_e.at[sl_], zb)
            pltpu.sync_copy(zb, oae1.at[sl_])
            pltpu.sync_copy(acc_t.at[sl_], zb)
            pltpu.sync_copy(zb, oat1.at[sl_])
            pltpu.sync_copy(acc_d.at[sl_], zb)
            pltpu.sync_copy(zb, odg1.at[sl_])

    cp = pltpu.CompilerParams(use_tc_tiling_on_sc=False)
    if "needs_layout_passes" in pltpu.CompilerParams.__dataclass_fields__:
        cp = dataclasses.replace(cp, needs_layout_passes=False)

    v1 = jax.ShapeDtypeStruct((n_pad,), jnp.float32)
    return pl.kernel(
        _sc_body,
        out_type=(v1, v1, v1, v1, v1, v1),
        mesh=plsc.VectorSubcoreMesh(core_axis_name="c", subcore_axis_name="s"),
        scratch_types=[
            pltpu.VMEM((r, 128), jnp.int32),
            pltpu.VMEM((r, 128), jnp.int32),
            pltpu.VMEM((k,), jnp.float32),
            pltpu.VMEM((k,), jnp.float32),
            pltpu.VMEM((k,), jnp.float32),
            pltpu.VMEM((k,), jnp.float32),
            pltpu.VMEM((k,), jnp.float32),
            pltpu.VMEM((k,), jnp.float32),
            pltpu.VMEM((k,), jnp.float32),
            pltpu.VMEM((k,), jnp.float32),
            pltpu.VMEM((rpt,), jnp.float32),
            pltpu.VMEM_SHARED((n_pad,), jnp.float32),
            pltpu.VMEM_SHARED((n_pad,), jnp.float32),
            pltpu.VMEM_SHARED((n_pad,), jnp.float32),
            pltpu.SemaphoreType.DMA,
            pltpu.SemaphoreType.DMA,
        ],
        compiler_params=cp,
        interpret=interpret,
    )


_sc_call = _make_sc_call(Np, K, CPW)


def kernel(ell, theta, edge_index):
    idx32 = edge_index.astype(jnp.int32)
    fillv = jnp.full((PAD,), N, jnp.int32)
    src = jnp.concatenate([idx32[0], fillv]).reshape(Ep // 128, 128)
    dst = jnp.concatenate([idx32[1], fillv]).reshape(Ep // 128, 128)
    ellp = jnp.pad(ell, (0, Np - N))
    thp = jnp.pad(theta, (0, Np - N))
    v1 = jax.ShapeDtypeStruct((Np,), jnp.float32)
    tabx, taby = pl.pallas_call(
        _prelude_body, out_shape=(v1, v1))(ellp, thp)
    zeros = jnp.zeros((Np,), jnp.float32)
    ae0, at0, dg0, ae1, at1, dg1 = _sc_call(
        tabx, taby, ellp, src, dst, zeros)
    outp = pl.pallas_call(
        _epilogue_body,
        out_shape=jax.ShapeDtypeStruct((2, Np), jnp.float32),
    )(ae0, at0, dg0, ae1, at1, dg1, ellp, thp)
    return outp[:, :N]

# --- scband reference (transcript-rebuilt; emitter-appended) ---
"""Pipeline reference for scband-gwave-gpu-31877247271369 (READ-ONLY COPY).

The authoritative reference and input builder live on the scoring server;
editing this copy changes nothing except your own understanding.
"""

import jax, jax.numpy as jnp
import numpy as np

EPS = 1e-10
PHI = (1.0 + np.sqrt(5.0)) / 2.0


def _log_cart_dist(ell1, theta1, ell2, theta2):
    cos1, sin1 = jnp.cos(theta1), jnp.sin(theta1)
    cos2, sin2 = jnp.cos(theta2), jnp.sin(theta2)
    log_x1 = ell1 + jnp.log(jnp.abs(cos1) + EPS)
    log_y1 = ell1 + jnp.log(jnp.abs(sin1) + EPS)
    log_x2 = ell2 + jnp.log(jnp.abs(cos2) + EPS)
    log_y2 = ell2 + jnp.log(jnp.abs(sin2) + EPS)
    same_x = (jnp.sign(cos1) * jnp.sign(cos2)) > 0
    lmax_x = jnp.maximum(log_x1, log_x2)
    lmin_x = jnp.minimum(log_x1, log_x2)
    diff_same_x = lmax_x + jnp.log(1.0 - jnp.exp(lmin_x - lmax_x) + EPS)
    diff_opp_x = jnp.logaddexp(log_x1, log_x2)
    log_diff_x = jnp.where(same_x, diff_same_x, diff_opp_x)
    same_y = (jnp.sign(sin1) * jnp.sign(sin2)) > 0
    lmax_y = jnp.maximum(log_y1, log_y2)
    lmin_y = jnp.minimum(log_y1, log_y2)
    diff_same_y = lmax_y + jnp.log(1.0 - jnp.exp(lmin_y - lmax_y) + EPS)
    diff_opp_y = jnp.logaddexp(log_y1, log_y2)
    log_diff_y = jnp.where(same_y, diff_same_y, diff_opp_y)
    return 0.5 * jnp.logaddexp(2.0 * log_diff_x, 2.0 * log_diff_y)


def setup_inputs(seed: int = 0) -> dict:
    key = jax.random.key(seed)
    k1, k2, k3 = jax.random.split(key, 3)
    N = 100000
    E = 6400000
    ell = jax.random.normal(k1, (N,), dtype=jnp.float32)
    theta = jax.random.uniform(k2, (N,), dtype=jnp.float32)
    edge_index = jax.random.randint(k3, (2, E), 0, N, dtype=jnp.int64)
    return {"ell": ell, "theta": theta, "edge_index": edge_index}


def reference(ell, theta, edge_index):
    N = ell.shape[0]
    src = edge_index[0]
    dst = edge_index[1]
    # gather endpoint coordinates (memory-bound gathers)
    ell_i = jnp.take(ell, dst, axis=0)
    th_i = jnp.take(theta, dst, axis=0)
    ell_j = jnp.take(ell, src, axis=0)
    th_j = jnp.take(theta, src, axis=0)
    log_dist = _log_cart_dist(ell_i, th_i, ell_j, th_j)
    lambda_cutoff = PHI ** 2
    # Hebbian coupling cutoff: only edges with log_dist < log(lambda_cutoff) couple
    mask = log_dist < jnp.log(lambda_cutoff)
    coupling = jnp.where(mask, jnp.exp(-log_dist), 0.0)
    msg_ell = coupling * ell_j
    msg_theta = coupling * jnp.sin(th_j - th_i)
    # scatter-add message aggregation per destination node
    agg_ell = jax.ops.segment_sum(msg_ell, dst, num_segments=N)
    agg_theta = jax.ops.segment_sum(msg_theta, dst, num_segments=N)
    deg = jax.ops.segment_sum(coupling, dst, num_segments=N)
    DT = PHI ** (-2.0)
    new_ell = ell + DT * agg_ell / (deg + EPS)
    new_theta = theta + DT * agg_theta / (deg + EPS)
    return jnp.stack([new_ell, new_theta], axis=0)

if __name__ == "__main__":
    import jax
    _d = setup_inputs()
    print(jax.jit(kernel)(*tuple(_d.values())))

</pallas_src>

<mosaic_0001>
#map = affine_map<(d0, d1) -> (0)>
#map1 = affine_map<(d0, d1) -> (0, 0)>
module attributes {stable_mosaic.version = 14 : i64} {
  func.func @_sc_body(%arg0: i32, %arg1: i32, %arg2: memref<100096xf32, #tpu.memory_space<hbm>>, %arg3: memref<100096xf32, #tpu.memory_space<hbm>>, %arg4: memref<100096xf32, #tpu.memory_space<hbm>>, %arg5: memref<50176x128xi32, #tpu.memory_space<hbm>>, %arg6: memref<50176x128xi32, #tpu.memory_space<hbm>>, %arg7: memref<100096xf32, #tpu.memory_space<hbm>>, %arg8: memref<100096xf32, #tpu.memory_space<hbm>>, %arg9: memref<100096xf32, #tpu.memory_space<hbm>>, %arg10: memref<100096xf32, #tpu.memory_space<hbm>>, %arg11: memref<100096xf32, #tpu.memory_space<hbm>>, %arg12: memref<100096xf32, #tpu.memory_space<hbm>>, %arg13: memref<100096xf32, #tpu.memory_space<hbm>>, %arg14: memref<2x128xi32, #tpu.memory_space<vmem>>, %arg15: memref<2x128xi32, #tpu.memory_space<vmem>>, %arg16: memref<256xf32, #tpu.memory_space<vmem>>, %arg17: memref<256xf32, #tpu.memory_space<vmem>>, %arg18: memref<256xf32, #tpu.memory_space<vmem>>, %arg19: memref<256xf32, #tpu.memory_space<vmem>>, %arg20: memref<256xf32, #tpu.memory_space<vmem>>, %arg21: memref<256xf32, #tpu.memory_space<vmem>>, %arg22: memref<256xf32, #tpu.memory_space<vmem>>, %arg23: memref<256xf32, #tpu.memory_space<vmem>>, %arg24: memref<6256xf32, #tpu.memory_space<vmem>>, %arg25: memref<100096xf32, #tpu.memory_space<vmem_shared>>, %arg26: memref<100096xf32, #tpu.memory_space<vmem_shared>>, %arg27: memref<100096xf32, #tpu.memory_space<vmem_shared>>, %arg28: memref<!tpu.dma_semaphore, #tpu.memory_space<semaphore_mem>>, %arg29: memref<!tpu.dma_semaphore, #tpu.memory_space<semaphore_mem>>) attributes {dimension_semantics = [#tpu.dimension_semantics<core_parallel>, #tpu.dimension_semantics<subcore_parallel>], iteration_bounds = array<i64: 2, 16>, scalar_prefetch = 0 : i64, scratch_operands = 16 : i64, tpu.core_type = #tpu.core_type<sc_vector_subcore>, window_params = [{transform_indices = #map}, {transform_indices = #map}, {transform_indices = #map}, {transform_indices = #map1}, {transform_indices = #map1}, {transform_indices = #map}, {transform_indices = #map}, {transform_indices = #map}, {transform_indices = #map}, {transform_indices = #map}, {transform_indices = #map}, {transform_indices = #map}]} {
    %mul3A = arith.constant 16 : i32
    %mul3A_0 = arith.muli %arg0, %mul3A : i32
    %add3A = arith.addi %mul3A_0, %arg1 : i32
    %mul3A_1 = arith.constant 6256 : i32
    %mul3A_2 = arith.muli %arg1, %mul3A_1 : i32
    "tpu.region"() ({
      %run_scoped3A = tpu.sem_alloc : memref<!tpu.dma_semaphore, #tpu.memory_space<semaphore_mem>>
      %dma_start3A = tpu.memref_slice %arg7[%mul3A_2] : memref<100096xf32, #tpu.memory_space<hbm>> -> memref<6256xf32, #tpu.memory_space<hbm>>
      %dma_start3A_15 = tpu.memref_slice %arg7[%mul3A_2] : memref<100096xf32, #tpu.memory_space<hbm>> -> memref<6256xf32, #tpu.memory_space<hbm>>
      tpu.enqueue_dma source(%dma_start3A_15 : memref<6256xf32, #tpu.memory_space<hbm>>) target(%arg24 : memref<6256xf32, #tpu.memory_space<vmem>>) target_semaphore(%run_scoped3A : memref<!tpu.dma_semaphore, #tpu.memory_space<semaphore_mem>>)
      %dma_wait3A = tpu.memref_slice %arg7[%mul3A_2] : memref<100096xf32, #tpu.memory_space<hbm>> -> memref<6256xf32, #tpu.memory_space<hbm>>
      %dma_wait3A_16 = tpu.memref_slice %arg7[%mul3A_2] : memref<100096xf32, #tpu.memory_space<hbm>> -> memref<6256xf32, #tpu.memory_space<hbm>>
      tpu.wait_dma2 semaphore(%run_scoped3A : memref<!tpu.dma_semaphore, #tpu.memory_space<semaphore_mem>>) src(%dma_wait3A_16 : memref<6256xf32, #tpu.memory_space<hbm>>) dst(%arg24 : memref<6256xf32, #tpu.memory_space<vmem>>)
      tpu.yield
    }) : () -> ()
    "tpu.region"() ({
      %run_scoped3A = tpu.sem_alloc : memref<!tpu.dma_semaphore, #tpu.memory_space<semaphore_mem>>
      %dma_start3A = tpu.memref_slice %arg25[%mul3A_2] : memref<100096xf32, #tpu.memory_space<vmem_shared>> -> memref<6256xf32, #tpu.memory_space<vmem_shared>>
      %dma_start3A_15 = tpu.memref_slice %arg25[%mul3A_2] : memref<100096xf32, #tpu.memory_space<vmem_shared>> -> memref<6256xf32, #tpu.memory_space<vmem_shared>>
      tpu.enqueue_dma source(%arg24 : memref<6256xf32, #tpu.memory_space<vmem>>) target(%dma_start3A_15 : memref<6256xf32, #tpu.memory_space<vmem_shared>>) target_semaphore(%run_scoped3A : memref<!tpu.dma_semaphore, #tpu.memory_space<semaphore_mem>>)
      %dma_wait3A = tpu.memref_slice %arg25[%mul3A_2] : memref<100096xf32, #tpu.memory_space<vmem_shared>> -> memref<6256xf32, #tpu.memory_space<vmem_shared>>
      %dma_wait3A_16 = tpu.memref_slice %arg25[%mul3A_2] : memref<100096xf32, #tpu.memory_space<vmem_shared>> -> memref<6256xf32, #tpu.memory_space<vmem_shared>>
      tpu.wait_dma2 semaphore(%run_scoped3A : memref<!tpu.dma_semaphore, #tpu.memory_space<semaphore_mem>>) src(%arg24 : memref<6256xf32, #tpu.memory_space<vmem>>) dst(%dma_wait3A_16 : memref<6256xf32, #tpu.memory_space<vmem_shared>>)
      tpu.yield
    }) : () -> ()
    "tpu.region"() ({
      %run_scoped3A = tpu.sem_alloc : memref<!tpu.dma_semaphore, #tpu.memory_space<semaphore_mem>>
      %dma_start3A = tpu.memref_slice %arg26[%mul3A_2] : memref<100096xf32, #tpu.memory_space<vmem_shared>> -> memref<6256xf32, #tpu.memory_space<vmem_shared>>
      %dma_start3A_15 = tpu.memref_slice %arg26[%mul3A_2] : memref<100096xf32, #tpu.memory_space<vmem_shared>> -> memref<6256xf32, #tpu.memory_space<vmem_shared>>
      tpu.enqueue_dma source(%arg24 : memref<6256xf32, #tpu.memory_space<vmem>>) target(%dma_start3A_15 : memref<6256xf32, #tpu.memory_space<vmem_shared>>) target_semaphore(%run_scoped3A : memref<!tpu.dma_semaphore, #tpu.memory_space<semaphore_mem>>)
      %dma_wait3A = tpu.memref_slice %arg26[%mul3A_2] : memref<100096xf32, #tpu.memory_space<vmem_shared>> -> memref<6256xf32, #tpu.memory_space<vmem_shared>>
      %dma_wait3A_16 = tpu.memref_slice %arg26[%mul3A_2] : memref<100096xf32, #tpu.memory_space<vmem_shared>> -> memref<6256xf32, #tpu.memory_space<vmem_shared>>
      tpu.wait_dma2 semaphore(%run_scoped3A : memref<!tpu.dma_semaphore, #tpu.memory_space<semaphore_mem>>) src(%arg24 : memref<6256xf32, #tpu.memory_space<vmem>>) dst(%dma_wait3A_16 : memref<6256xf32, #tpu.memory_space<vmem_shared>>)
      tpu.yield
    }) : () -> ()
    "tpu.region"() ({
      %run_scoped3A = tpu.sem_alloc : memref<!tpu.dma_semaphore, #tpu.memory_space<semaphore_mem>>
      %dma_start3A = tpu.memref_slice %arg27[%mul3A_2] : memref<100096xf32, #tpu.memory_space<vmem_shared>> -> memref<6256xf32, #tpu.memory_space<vmem_shared>>
      %dma_start3A_15 = tpu.memref_slice %arg27[%mul3A_2] : memref<100096xf32, #tpu.memory_space<vmem_shared>> -> memref<6256xf32, #tpu.memory_space<vmem_shared>>
      tpu.enqueue_dma source(%arg24 : memref<6256xf32, #tpu.memory_space<vmem>>) target(%dma_start3A_15 : memref<6256xf32, #tpu.memory_space<vmem_shared>>) target_semaphore(%run_scoped3A : memref<!tpu.dma_semaphore, #tpu.memory_space<semaphore_mem>>)
      %dma_wait3A = tpu.memref_slice %arg27[%mul3A_2] : memref<100096xf32, #tpu.memory_space<vmem_shared>> -> memref<6256xf32, #tpu.memory_space<vmem_shared>>
      %dma_wait3A_16 = tpu.memref_slice %arg27[%mul3A_2] : memref<100096xf32, #tpu.memory_space<vmem_shared>> -> memref<6256xf32, #tpu.memory_space<vmem_shared>>
      tpu.wait_dma2 semaphore(%run_scoped3A : memref<!tpu.dma_semaphore, #tpu.memory_space<semaphore_mem>>) src(%arg24 : memref<6256xf32, #tpu.memory_space<vmem>>) dst(%dma_wait3A_16 : memref<6256xf32, #tpu.memory_space<vmem_shared>>)
      tpu.yield
    }) : () -> ()
    %barrier3A = arith.constant 0 : index
    tpu.barrier barrier_id(%barrier3A)
    %scan3A = arith.constant 0 : i32
    %scan3A_3 = arith.constant 784 : i32
    %scan3A_4 = arith.addi %scan3A, %scan3A_3 : i32
    %scan3A_5 = arith.constant 1 : i32
    scf.for %scan3A_15 = %scan3A to %scan3A_4 step %scan3A_5  : i32 {
      %mul3A_16 = arith.constant 1 : i32
      %mul3A_17 = arith.muli %scan3A_15, %mul3A_16 : i32
      %add3A_18 = arith.constant 0 : i32
      %add3A_19 = arith.addi %add3A_18, %mul3A_17 : i32
      %mul3A_20 = arith.constant 784 : i32
      %mul3A_21 = arith.muli %add3A, %mul3A_20 : i32
      %add3A_22 = arith.addi %mul3A_21, %add3A_19 : i32
      %mul3A_23 = arith.constant 2 : i32
      %mul3A_24 = arith.muli %add3A_22, %mul3A_23 : i32
      %dma_start3A = arith.constant 0 : i32
      %dma_start3A_25 = tpu.memref_slice %arg5[%mul3A_24, %dma_start3A] : memref<50176x128xi32, #tpu.memory_space<hbm>> -> memref<2x128xi32, #tpu.memory_space<hbm>>
      %dma_start3A_26 = arith.constant 0 : i32
      %dma_start3A_27 = tpu.memref_slice %arg5[%mul3A_24, %dma_start3A_26] : memref<50176x128xi32, #tpu.memory_space<hbm>> -> memref<2x128xi32, #tpu.memory_space<hbm>>
      tpu.enqueue_dma source(%dma_start3A_27 : memref<2x128xi32, #tpu.memory_space<hbm>>) target(%arg14 : memref<2x128xi32, #tpu.memory_space<vmem>>) target_semaphore(%arg28 : memref<!tpu.dma_semaphore, #tpu.memory_space<semaphore_mem>>)
      %dma_start3A_28 = arith.constant 0 : i32
      %dma_start3A_29 = tpu.memref_slice %arg6[%mul3A_24, %dma_start3A_28] : memref<50176x128xi32, #tpu.memory_space<hbm>> -> memref<2x128xi32, #tpu.memory_space<hbm>>
      %dma_start3A_30 = arith.constant 0 : i32
      %dma_start3A_31 = tpu.memref_slice %arg6[%mul3A_24, %dma_start3A_30] : memref<50176x128xi32, #tpu.memory_space<hbm>> -> memref<2x128xi32, #tpu.memory_space<hbm>>
      tpu.enqueue_dma source(%dma_start3A_31 : memref<2x128xi32, #tpu.memory_space<hbm>>) target(%arg15 : memref<2x128xi32, #tpu.memory_space<vmem>>) target_semaphore(%arg28 : memref<!tpu.dma_semaphore, #tpu.memory_space<semaphore_mem>>)
      %dma_wait3A = arith.constant 0 : i32
      %dma_wait3A_32 = tpu.memref_slice %arg5[%mul3A_24, %dma_wait3A] : memref<50176x128xi32, #tpu.memory_space<hbm>> -> memref<2x128xi32, #tpu.memory_space<hbm>>
      %dma_wait3A_33 = arith.constant 0 : i32
      %dma_wait3A_34 = tpu.memref_slice %arg5[%mul3A_24, %dma_wait3A_33] : memref<50176x128xi32, #tpu.memory_space<hbm>> -> memref<2x128xi32, #tpu.memory_space<hbm>>
      tpu.wait_dma2 semaphore(%arg28 : memref<!tpu.dma_semaphore, #tpu.memory_space<semaphore_mem>>) src(%dma_wait3A_34 : memref<2x128xi32, #tpu.memory_space<hbm>>) dst(%arg14 : memref<2x128xi32, #tpu.memory_space<vmem>>)
      %dma_wait3A_35 = arith.constant 0 : i32
      %dma_wait3A_36 = tpu.memref_slice %arg6[%mul3A_24, %dma_wait3A_35] : memref<50176x128xi32, #tpu.memory_space<hbm>> -> memref<2x128xi32, #tpu.memory_space<hbm>>
      %dma_wait3A_37 = arith.constant 0 : i32
      %dma_wait3A_38 = tpu.memref_slice %arg6[%mul3A_24, %dma_wait3A_37] : memref<50176x128xi32, #tpu.memory_space<hbm>> -> memref<2x128xi32, #tpu.memory_space<hbm>>
      tpu.wait_dma2 semaphore(%arg28 : memref<!tpu.dma_semaphore, #tpu.memory_space<semaphore_mem>>) src(%dma_wait3A_38 : memref<2x128xi32, #tpu.memory_space<hbm>>) dst(%arg15 : memref<2x128xi32, #tpu.memory_space<vmem>>)
      %dma_start3A_39 = arith.constant 0 : i32
      %dma_start3A_40 = arith.constant 0 : i32
      %dma_start3A_41 = tpu.memref_slice %arg16[%dma_start3A_40] : memref<256xf32, #tpu.memory_space<vmem>> -> memref<128xf32, #tpu.memory_space<vmem>>
      %dma_start3A_42 = arith.constant 0 : i32
      %dma_start3A_43 = tpu.memref_slice %arg14[%dma_start3A_39, %dma_start3A_42] : memref<2x128xi32, #tpu.memory_space<vmem>> -> memref<1x128xi32, #tpu.memory_space<vmem>>
      %dma_start3A_44 = tpu.memref_squeeze %dma_start3A_43 : memref<1x128xi32, #tpu.memory_space<vmem>> -> memref<128xi32, #tpu.memory_space<vmem>>
      %dma_start3A_45 = arith.constant 0 : i32
      %dma_start3A_46 = tpu.memref_slice %arg2[%dma_start3A_45] : memref<100096xf32, #tpu.memory_space<hbm>> -> memref<100096xf32, #tpu.memory_space<hbm>>
      tpu.enqueue_indirect_dma source(%dma_start3A_46 : memref<100096xf32, #tpu.memory_space<hbm>>) target(%dma_start3A_41 : memref<128xf32, #tpu.memory_space<vmem>>) offsets(%dma_start3A_44 : memref<128xi32, #tpu.memory_space<vmem>>) semaphore(%arg29 : memref<!tpu.dma_semaphore, #tpu.memory_space<semaphore_mem>>)
      %dma_start3A_47 = arith.constant 0 : i32
      %dma_start3A_48 = arith.constant 0 : i32
      %dma_start3A_49 = tpu.memref_slice %arg17[%dma_start3A_48] : memref<256xf32, #tpu.memory_space<vmem>> -> memref<128xf32, #tpu.memory_space<vmem>>
      %dma_start3A_50 = arith.constant 0 : i32
      %dma_start3A_51 = tpu.memref_slice %arg14[%dma_start3A_47, %dma_start3A_50] : memref<2x128xi32, #tpu.memory_space<vmem>> -> memref<1x128xi32, #tpu.memory_space<vmem>>
      %dma_start3A_52 = tpu.memref_squeeze %dma_start3A_51 : memref<1x128xi32, #tpu.memory_space<vmem>> -> memref<128xi32, #tpu.memory_space<vmem>>
      %dma_start3A_53 = arith.constant 0 : i32
      %dma_start3A_54 = tpu.memref_slice %arg3[%dma_start3A_53] : memref<100096xf32, #tpu.memory_space<hbm>> -> memref<100096xf32, #tpu.memory_space<hbm>>
      tpu.enqueue_indirect_dma source(%dma_start3A_54 : memref<100096xf32, #tpu.memory_space<hbm>>) target(%dma_start3A_49 : memref<128xf32, #tpu.memory_space<vmem>>) offsets(%dma_start3A_52 : memref<128xi32, #tpu.memory_space<vmem>>) semaphore(%arg29 : memref<!tpu.dma_semaphore, #tpu.memory_space<semaphore_mem>>)
      %dma_start3A_55 = arith.constant 0 : i32
      %dma_start3A_56 = arith.constant 0 : i32
      %dma_start3A_57 = tpu.memref_slice %arg18[%dma_start3A_56] : memref<256xf32, #tpu.memory_space<vmem>> -> memref<128xf32, #tpu.memory_space<vmem>>
      %dma_start3A_58 = arith.constant 0 : i32
      %dma_start3A_59 = tpu.memref_slice %arg14[%dma_start3A_55, %dma_start3A_58] : memref<2x128xi32, #tpu.memory_space<vmem>> -> memref<1x128xi32, #tpu.memory_space<vmem>>
      %dma_start3A_60 = tpu.memref_squeeze %dma_start3A_59 : memref<1x128xi32, #tpu.memory_space<vmem>> -> memref<128xi32, #tpu.memory_space<vmem>>
      %dma_start3A_61 = arith.constant 0 : i32
      %dma_start3A_62 = tpu.memref_slice %arg4[%dma_start3A_61] : memref<100096xf32, #tpu.memory_space<hbm>> -> memref<100096xf32, #tpu.memory_space<hbm>>
      tpu.enqueue_indirect_dma source(%dma_start3A_62 : memref<100096xf32, #tpu.memory_space<hbm>>) target(%dma_start3A_57 : memref<128xf32, #tpu.memory_space<vmem>>) offsets(%dma_start3A_60 : memref<128xi32, #tpu.memory_space<vmem>>) semaphore(%arg29 : memref<!tpu.dma_semaphore, #tpu.memory_space<semaphore_mem>>)
      %dma_start3A_63 = arith.constant 0 : i32
      %dma_start3A_64 = arith.constant 0 : i32
      %dma_start3A_65 = tpu.memref_slice %arg19[%dma_start3A_64] : memref<256xf32, #tpu.memory_space<vmem>> -> memref<128xf32, #tpu.memory_space<vmem>>
      %dma_start3A_66 = arith.constant 0 : i32
      %dma_start3A_67 = tpu.memref_slice %arg15[%dma_start3A_63, %dma_start3A_66] : memref<2x128xi32, #tpu.memory_space<vmem>> -> memref<1x128xi32, #tpu.memory_space<vmem>>
      %dma_start3A_68 = tpu.memref_squeeze %dma_start3A_67 : memref<1x128xi32, #tpu.memory_space<vmem>> -> memref<128xi32, #tpu.memory_space<vmem>>
      %dma_start3A_69 = arith.constant 0 : i32
      %dma_start3A_70 = tpu.memref_slice %arg2[%dma_start3A_69] : memref<100096xf32, #tpu.memory_space<hbm>> -> memref<100096xf32, #tpu.memory_space<hbm>>
      tpu.enqueue_indirect_dma source(%dma_start3A_70 : memref<100096xf32, #tpu.memory_space<hbm>>) target(%dma_start3A_65 : memref<128xf32, #tpu.memory_space<vmem>>) offsets(%dma_start3A_68 : memref<128xi32, #tpu.memory_space<vmem>>) semaphore(%arg29 : memref<!tpu.dma_semaphore, #tpu.memory_space<semaphore_mem>>)
      %dma_start3A_71 = arith.constant 0 : i32
      %dma_start3A_72 = arith.constant 0 : i32
      %dma_start3A_73 = tpu.memref_slice %arg20[%dma_start3A_72] : memref<256xf32, #tpu.memory_space<vmem>> -> memref<128xf32, #tpu.memory_space<vmem>>
      %dma_start3A_74 = arith.constant 0 : i32
      %dma_start3A_75 = tpu.memref_slice %arg15[%dma_start3A_71, %dma_start3A_74] : memref<2x128xi32, #tpu.memory_space<vmem>> -> memref<1x128xi32, #tpu.memory_space<vmem>>
      %dma_start3A_76 = tpu.memref_squeeze %dma_start3A_75 : memref<1x128xi32, #tpu.memory_space<vmem>> -> memref<128xi32, #tpu.memory_space<vmem>>
      %dma_start3A_77 = arith.constant 0 : i32
      %dma_start3A_78 = tpu.memref_slice %arg3[%dma_start3A_77] : memref<100096xf32, #tpu.memory_space<hbm>> -> memref<100096xf32, #tpu.memory_space<hbm>>
      tpu.enqueue_indirect_dma source(%dma_start3A_78 : memref<100096xf32, #tpu.memory_space<hbm>>) target(%dma_start3A_73 : memref<128xf32, #tpu.memory_space<vmem>>) offsets(%dma_start3A_76 : memref<128xi32, #tpu.memory_space<vmem>>) semaphore(%arg29 : memref<!tpu.dma_semaphore, #tpu.memory_space<semaphore_mem>>)
      %dma_start3A_79 = arith.constant 1 : i32
      %dma_start3A_80 = arith.constant 128 : i32
      %dma_start3A_81 = tpu.memref_slice %arg16[%dma_start3A_80] : memref<256xf32, #tpu.memory_space<vmem>> -> memref<128xf32, #tpu.memory_space<vmem>>
      %dma_start3A_82 = arith.constant 0 : i32
      %dma_start3A_83 = tpu.memref_slice %arg14[%dma_start3A_79, %dma_start3A_82] : memref<2x128xi32, #tpu.memory_space<vmem>> -> memref<1x128xi32, #tpu.memory_space<vmem>>
      %dma_start3A_84 = tpu.memref_squeeze %dma_start3A_83 : memref<1x128xi32, #tpu.memory_space<vmem>> -> memref<128xi32, #tpu.memory_space<vmem>>
      %dma_start3A_85 = arith.constant 0 : i32
      %dma_start3A_86 = tpu.memref_slice %arg2[%dma_start3A_85] : memref<100096xf32, #tpu.memory_space<hbm>> -> memref<100096xf32, #tpu.memory_space<hbm>>
      tpu.enqueue_indirect_dma source(%dma_start3A_86 : memref<100096xf32, #tpu.memory_space<hbm>>) target(%dma_start3A_81 : memref<128xf32, #tpu.memory_space<vmem>>) offsets(%dma_start3A_84 : memref<128xi32, #tpu.memory_space<vmem>>) semaphore(%arg29 : memref<!tpu.dma_semaphore, #tpu.memory_space<semaphore_mem>>)
      %dma_start3A_87 = arith.constant 1 : i32
      %dma_start3A_88 = arith.constant 128 : i32
      %dma_start3A_89 = tpu.memref_slice %arg17[%dma_start3A_88] : memref<256xf32, #tpu.memory_space<vmem>> -> memref<128xf32, #tpu.memory_space<vmem>>
      %dma_start3A_90 = arith.constant 0 : i32
      %dma_start3A_91 = tpu.memref_slice %arg14[%dma_start3A_87, %dma_start3A_90] : memref<2x128xi32, #tpu.memory_space<vmem>> -> memref<1x128xi32, #tpu.memory_space<vmem>>
      %dma_start3A_92 = tpu.memref_squeeze %dma_start3A_91 : memref<1x128xi32, #tpu.memory_space<vmem>> -> memref<128xi32, #tpu.memory_space<vmem>>
      %dma_start3A_93 = arith.constant 0 : i32
      %dma_start3A_94 = tpu.memref_slice %arg3[%dma_start3A_93] : memref<100096xf32, #tpu.memory_space<hbm>> -> memref<100096xf32, #tpu.memory_space<hbm>>
      tpu.enqueue_indirect_dma source(%dma_start3A_94 : memref<100096xf32, #tpu.memory_space<hbm>>) target(%dma_start3A_89 : memref<128xf32, #tpu.memory_space<vmem>>) offsets(%dma_start3A_92 : memref<128xi32, #tpu.memory_space<vmem>>) semaphore(%arg29 : memref<!tpu.dma_semaphore, #tpu.memory_space<semaphore_mem>>)
      %dma_start3A_95 = arith.constant 1 : i32
      %dma_start3A_96 = arith.constant 128 : i32
      %dma_start3A_97 = tpu.memref_slice %arg18[%dma_start3A_96] : memref<256xf32, #tpu.memory_space<vmem>> -> memref<128xf32, #tpu.memory_space<vmem>>
      %dma_start3A_98 = arith.constant 0 : i32
      %dma_start3A_99 = tpu.memref_slice %arg14[%dma_start3A_95, %dma_start3A_98] : memref<2x128xi32, #tpu.memory_space<vmem>> -> memref<1x128xi32, #tpu.memory_space<vmem>>
      %dma_start3A_100 = tpu.memref_squeeze %dma_start3A_99 : memref<1x128xi32, #tpu.memory_space<vmem>> -> memref<128xi32, #tpu.memory_space<vmem>>
      %dma_start3A_101 = arith.constant 0 : i32
      %dma_start3A_102 = tpu.memref_slice %arg4[%dma_start3A_101] : memref<100096xf32, #tpu.memory_space<hbm>> -> memref<100096xf32, #tpu.memory_space<hbm>>
      tpu.enqueue_indirect_dma source(%dma_start3A_102 : memref<100096xf32, #tpu.memory_space<hbm>>) target(%dma_start3A_97 : memref<128xf32, #tpu.memory_space<vmem>>) offsets(%dma_start3A_100 : memref<128xi32, #tpu.memory_space<vmem>>) semaphore(%arg29 : memref<!tpu.dma_semaphore, #tpu.memory_space<semaphore_mem>>)
      %dma_start3A_103 = arith.constant 1 : i32
      %dma_start3A_104 = arith.constant 128 : i32
      %dma_start3A_105 = tpu.memref_slice %arg19[%dma_start3A_104] : memref<256xf32, #tpu.memory_space<vmem>> -> memref<128xf32, #tpu.memory_space<vmem>>
      %dma_start3A_106 = arith.constant 0 : i32
      %dma_start3A_107 = tpu.memref_slice %arg15[%dma_start3A_103, %dma_start3A_106] : memref<2x128xi32, #tpu.memory_space<vmem>> -> memref<1x128xi32, #tpu.memory_space<vmem>>
      %dma_start3A_108 = tpu.memref_squeeze %dma_start3A_107 : memref<1x128xi32, #tpu.memory_space<vmem>> -> memref<128xi32, #tpu.memory_space<vmem>>
      %dma_start3A_109 = arith.constant 0 : i32
      %dma_start3A_110 = tpu.memref_slice %arg2[%dma_start3A_109] : memref<100096xf32, #tpu.memory_space<hbm>> -> memref<100096xf32, #tpu.memory_space<hbm>>
      tpu.enqueue_indirect_dma source(%dma_start3A_110 : memref<100096xf32, #tpu.memory_space<hbm>>) target(%dma_start3A_105 : memref<128xf32, #tpu.memory_space<vmem>>) offsets(%dma_start3A_108 : memref<128xi32, #tpu.memory_space<vmem>>) semaphore(%arg29 : memref<!tpu.dma_semaphore, #tpu.memory_space<semaphore_mem>>)
      %dma_start3A_111 = arith.constant 1 : i32
      %dma_start3A_112 = arith.constant 128 : i32
      %dma_start3A_113 = tpu.memref_slice %arg20[%dma_start3A_112] : memref<256xf32, #tpu.memory_space<vmem>> -> memref<128xf32, #tpu.memory_space<vmem>>
      %dma_start3A_114 = arith.constant 0 : i32
      %dma_start3A_115 = tpu.memref_slice %arg15[%dma_start3A_111, %dma_start3A_114] : memref<2x128xi32, #tpu.memory_space<vmem>> -> memref<1x128xi32, #tpu.memory_space<vmem>>
      %dma_start3A_116 = tpu.memref_squeeze %dma_start3A_115 : memref<1x128xi32, #tpu.memory_space<vmem>> -> memref<128xi32, #tpu.memory_space<vmem>>
      %dma_start3A_117 = arith.constant 0 : i32
      %dma_start3A_118 = tpu.memref_slice %arg3[%dma_start3A_117] : memref<100096xf32, #tpu.memory_space<hbm>> -> memref<100096xf32, #tpu.memory_space<hbm>>
      tpu.enqueue_indirect_dma source(%dma_start3A_118 : memref<100096xf32, #tpu.memory_space<hbm>>) target(%dma_start3A_113 : memref<128xf32, #tpu.memory_space<vmem>>) offsets(%dma_start3A_116 : memref<128xi32, #tpu.memory_space<vmem>>) semaphore(%arg29 : memref<!tpu.dma_semaphore, #tpu.memory_space<semaphore_mem>>)
      %dma_wait3A_119 = arith.constant 0 : i32
      %dma_wait3A_120 = arith.constant 0 : i32
      %dma_wait3A_121 = tpu.memref_slice %arg16[%dma_wait3A_120] : memref<256xf32, #tpu.memory_space<vmem>> -> memref<128xf32, #tpu.memory_space<vmem>>
      %dma_wait3A_122 = arith.constant 0 : i32
      %dma_wait3A_123 = tpu.memref_slice %arg14[%dma_wait3A_119, %dma_wait3A_122] : memref<2x128xi32, #tpu.memory_space<vmem>> -> memref<1x128xi32, #tpu.memory_space<vmem>>
      %dma_wait3A_124 = tpu.memref_squeeze %dma_wait3A_123 : memref<1x128xi32, #tpu.memory_space<vmem>> -> memref<128xi32, #tpu.memory_space<vmem>>
      %dma_wait3A_125 = arith.constant 0 : i32
      %dma_wait3A_126 = tpu.memref_slice %arg2[%dma_wait3A_125] : memref<100096xf32, #tpu.memory_space<hbm>> -> memref<100096xf32, #tpu.memory_space<hbm>>
      tpu.wait_indirect_dma semaphore(%arg29 : memref<!tpu.dma_semaphore, #tpu.memory_space<semaphore_mem>>) src(%dma_wait3A_126 : memref<100096xf32, #tpu.memory_space<hbm>>) dst(%dma_wait3A_121 : memref<128xf32, #tpu.memory_space<vmem>>)
      %dma_wait3A_127 = arith.constant 0 : i32
      %dma_wait3A_128 = arith.constant 0 : i32
      %dma_wait3A_129 = tpu.memref_slice %arg17[%dma_wait3A_128] : memref<256xf32, #tpu.memory_space<vmem>> -> memref<128xf32, #tpu.memory_space<vmem>>
      %dma_wait3A_130 = arith.constant 0 : i32
      %dma_wait3A_131 = tpu.memref_slice %arg14[%dma_wait3A_127, %dma_wait3A_130] : memref<2x128xi32, #tpu.memory_space<vmem>> -> memref<1x128xi32, #tpu.memory_space<vmem>>
      %dma_wait3A_132 = tpu.memref_squeeze %dma_wait3A_131 : memref<1x128xi32, #tpu.memory_space<vmem>> -> memref<128xi32, #tpu.memory_space<vmem>>
      %dma_wait3A_133 = arith.constant 0 : i32
      %dma_wait3A_134 = tpu.memref_slice %arg3[%dma_wait3A_133] : memref<100096xf32, #tpu.memory_space<hbm>> -> memref<100096xf32, #tpu.memory_space<hbm>>
      tpu.wait_indirect_dma semaphore(%arg29 : memref<!tpu.dma_semaphore, #tpu.memory_space<semaphore_mem>>) src(%dma_wait3A_134 : memref<100096xf32, #tpu.memory_space<hbm>>) dst(%dma_wait3A_129 : memref<128xf32, #tpu.memory_space<vmem>>)
      %dma_wait3A_135 = arith.constant 0 : i32
      %dma_wait3A_136 = arith.constant 0 : i32
      %dma_wait3A_137 = tpu.memref_slice %arg18[%dma_wait3A_136] : memref<256xf32, #tpu.memory_space<vmem>> -> memref<128xf32, #tpu.memory_space<vmem>>
      %dma_wait3A_138 = arith.constant 0 : i32
      %dma_wait3A_139 = tpu.memref_slice %arg14[%dma_wait3A_135, %dma_wait3A_138] : memref<2x128xi32, #tpu.memory_space<vmem>> -> memref<1x128xi32, #tpu.memory_space<vmem>>
      %dma_wait3A_140 = tpu.memref_squeeze %dma_wait3A_139 : memref<1x128xi32, #tpu.memory_space<vmem>> -> memref<128xi32, #tpu.memory_space<vmem>>
      %dma_wait3A_141 = arith.constant 0 : i32
      %dma_wait3A_142 = tpu.memref_slice %arg4[%dma_wait3A_141] : memref<100096xf32, #tpu.memory_space<hbm>> -> memref<100096xf32, #tpu.memory_space<hbm>>
      tpu.wait_indirect_dma semaphore(%arg29 : memref<!tpu.dma_semaphore, #tpu.memory_space<semaphore_mem>>) src(%dma_wait3A_142 : memref<100096xf32, #tpu.memory_space<hbm>>) dst(%dma_wait3A_137 : memref<128xf32, #tpu.memory_space<vmem>>)
      %dma_wait3A_143 = arith.constant 0 : i32
      %dma_wait3A_144 = arith.constant 0 : i32
      %dma_wait3A_145 = tpu.memref_slice %arg19[%dma_wait3A_144] : memref<256xf32, #tpu.memory_space<vmem>> -> memref<128xf32, #tpu.memory_space<vmem>>
      %dma_wait3A_146 = arith.constant 0 : i32
      %dma_wait3A_147 = tpu.memref_slice %arg15[%dma_wait3A_143, %dma_wait3A_146] : memref<2x128xi32, #tpu.memory_space<vmem>> -> memref<1x128xi32, #tpu.memory_space<vmem>>
      %dma_wait3A_148 = tpu.memref_squeeze %dma_wait3A_147 : memref<1x128xi32, #tpu.memory_space<vmem>> -> memref<128xi32, #tpu.memory_space<vmem>>
      %dma_wait3A_149 = arith.constant 0 : i32
      %dma_wait3A_150 = tpu.memref_slice %arg2[%dma_wait3A_149] : memref<100096xf32, #tpu.memory_space<hbm>> -> memref<100096xf32, #tpu.memory_space<hbm>>
      tpu.wait_indirect_dma semaphore(%arg29 : memref<!tpu.dma_semaphore, #tpu.memory_space<semaphore_mem>>) src(%dma_wait3A_150 : memref<100096xf32, #tpu.memory_space<hbm>>) dst(%dma_wait3A_145 : memref<128xf32, #tpu.memory_space<vmem>>)
      %dma_wait3A_151 = arith.constant 0 : i32
      %dma_wait3A_152 = arith.constant 0 : i32
      %dma_wait3A_153 = tpu.memref_slice %arg20[%dma_wait3A_152] : memref<256xf32, #tpu.memory_space<vmem>> -> memref<128xf32, #tpu.memory_space<vmem>>
      %dma_wait3A_154 = arith.constant 0 : i32
      %dma_wait3A_155 = tpu.memref_slice %arg15[%dma_wait3A_151, %dma_wait3A_154] : memref<2x128xi32, #tpu.memory_space<vmem>> -> memref<1x128xi32, #tpu.memory_space<vmem>>
      %dma_wait3A_156 = tpu.memref_squeeze %dma_wait3A_155 : memref<1x128xi32, #tpu.memory_space<vmem>> -> memref<128xi32, #tpu.memory_space<vmem>>
      %dma_wait3A_157 = arith.constant 0 : i32
      %dma_wait3A_158 = tpu.memref_slice %arg3[%dma_wait3A_157] : memref<100096xf32, #tpu.memory_space<hbm>> -> memref<100096xf32, #tpu.memory_space<hbm>>
      tpu.wait_indirect_dma semaphore(%arg29 : memref<!tpu.dma_semaphore, #tpu.memory_space<semaphore_mem>>) src(%dma_wait3A_158 : memref<100096xf32, #tpu.memory_space<hbm>>) dst(%dma_wait3A_153 : memref<128xf32, #tpu.memory_space<vmem>>)
      %dma_wait3A_159 = arith.constant 1 : i32
      %dma_wait3A_160 = arith.constant 128 : i32
      %dma_wait3A_161 = tpu.memref_slice %arg16[%dma_wait3A_160] : memref<256xf32, #tpu.memory_space<vmem>> -> memref<128xf32, #tpu.memory_space<vmem>>
      %dma_wait3A_162 = arith.constant 0 : i32
      %dma_wait3A_163 = tpu.memref_slice %arg14[%dma_wait3A_159, %dma_wait3A_162] : memref<2x128xi32, #tpu.memory_space<vmem>> -> memref<1x128xi32, #tpu.memory_space<vmem>>
      %dma_wait3A_164 = tpu.memref_squeeze %dma_wait3A_163 : memref<1x128xi32, #tpu.memory_space<vmem>> -> memref<128xi32, #tpu.memory_space<vmem>>
      %dma_wait3A_165 = arith.constant 0 : i32
      %dma_wait3A_166 = tpu.memref_slice %arg2[%dma_wait3A_165] : memref<100096xf32, #tpu.memory_space<hbm>> -> memref<100096xf32, #tpu.memory_space<hbm>>
      tpu.wait_indirect_dma semaphore(%arg29 : memref<!tpu.dma_semaphore, #tpu.memory_space<semaphore_mem>>) src(%dma_wait3A_166 : memref<100096xf32, #tpu.memory_space<hbm>>) dst(%dma_wait3A_161 : memref<128xf32, #tpu.memory_space<vmem>>)
      %dma_wait3A_167 = arith.constant 1 : i32
      %dma_wait3A_168 = arith.constant 128 : i32
      %dma_wait3A_169 = tpu.memref_slice %arg17[%dma_wait3A_168] : memref<256xf32, #tpu.memory_space<vmem>> -> memref<128xf32, #tpu.memory_space<vmem>>
      %dma_wait3A_170 = arith.constant 0 : i32
      %dma_wait3A_171 = tpu.memref_slice %arg14[%dma_wait3A_167, %dma_wait3A_170] : memref<2x128xi32, #tpu.memory_space<vmem>> -> memref<1x128xi32, #tpu.memory_space<vmem>>
      %dma_wait3A_172 = tpu.memref_squeeze %dma_wait3A_171 : memref<1x128xi32, #tpu.memory_space<vmem>> -> memref<128xi32, #tpu.memory_space<vmem>>
      %dma_wait3A_173 = arith.constant 0 : i32
      %dma_wait3A_174 = tpu.memref_slice %arg3[%dma_wait3A_173] : memref<100096xf32, #tpu.memory_space<hbm>> -> memref<100096xf32, #tpu.memory_space<hbm>>
      tpu.wait_indirect_dma semaphore(%arg29 : memref<!tpu.dma_semaphore, #tpu.memory_space<semaphore_mem>>) src(%dma_wait3A_174 : memref<100096xf32, #tpu.memory_space<hbm>>) dst(%dma_wait3A_169 : memref<128xf32, #tpu.memory_space<vmem>>)
      %dma_wait3A_175 = arith.constant 1 : i32
      %dma_wait3A_176 = arith.constant 128 : i32
      %dma_wait3A_177 = tpu.memref_slice %arg18[%dma_wait3A_176] : memref<256xf32, #tpu.memory_space<vmem>> -> memref<128xf32, #tpu.memory_space<vmem>>
      %dma_wait3A_178 = arith.constant 0 : i32
      %dma_wait3A_179 = tpu.memref_slice %arg14[%dma_wait3A_175, %dma_wait3A_178] : memref<2x128xi32, #tpu.memory_space<vmem>> -> memref<1x128xi32, #tpu.memory_space<vmem>>
      %dma_wait3A_180 = tpu.memref_squeeze %dma_wait3A_179 : memref<1x128xi32, #tpu.memory_space<vmem>> -> memref<128xi32, #tpu.memory_space<vmem>>
      %dma_wait3A_181 = arith.constant 0 : i32
      %dma_wait3A_182 = tpu.memref_slice %arg4[%dma_wait3A_181] : memref<100096xf32, #tpu.memory_space<hbm>> -> memref<100096xf32, #tpu.memory_space<hbm>>
      tpu.wait_indirect_dma semaphore(%arg29 : memref<!tpu.dma_semaphore, #tpu.memory_space<semaphore_mem>>) src(%dma_wait3A_182 : memref<100096xf32, #tpu.memory_space<hbm>>) dst(%dma_wait3A_177 : memref<128xf32, #tpu.memory_space<vmem>>)
      %dma_wait3A_183 = arith.constant 1 : i32
      %dma_wait3A_184 = arith.constant 128 : i32
      %dma_wait3A_185 = tpu.memref_slice %arg19[%dma_wait3A_184] : memref<256xf32, #tpu.memory_space<vmem>> -> memref<128xf32, #tpu.memory_space<vmem>>
      %dma_wait3A_186 = arith.constant 0 : i32
      %dma_wait3A_187 = tpu.memref_slice %arg15[%dma_wait3A_183, %dma_wait3A_186] : memref<2x128xi32, #tpu.memory_space<vmem>> -> memref<1x128xi32, #tpu.memory_space<vmem>>
      %dma_wait3A_188 = tpu.memref_squeeze %dma_wait3A_187 : memref<1x128xi32, #tpu.memory_space<vmem>> -> memref<128xi32, #tpu.memory_space<vmem>>
      %dma_wait3A_189 = arith.constant 0 : i32
      %dma_wait3A_190 = tpu.memref_slice %arg2[%dma_wait3A_189] : memref<100096xf32, #tpu.memory_space<hbm>> -> memref<100096xf32, #tpu.memory_space<hbm>>
      tpu.wait_indirect_dma semaphore(%arg29 : memref<!tpu.dma_semaphore, #tpu.memory_space<semaphore_mem>>) src(%dma_wait3A_190 : memref<100096xf32, #tpu.memory_space<hbm>>) dst(%dma_wait3A_185 : memref<128xf32, #tpu.memory_space<vmem>>)
      %dma_wait3A_191 = arith.constant 1 : i32
      %dma_wait3A_192 = arith.constant 128 : i32
      %dma_wait3A_193 = tpu.memref_slice %arg20[%dma_wait3A_192] : memref<256xf32, #tpu.memory_space<vmem>> -> memref<128xf32, #tpu.memory_space<vmem>>
      %dma_wait3A_194 = arith.constant 0 : i32
      %dma_wait3A_195 = tpu.memref_slice %arg15[%dma_wait3A_191, %dma_wait3A_194] : memref<2x128xi32, #tpu.memory_space<vmem>> -> memref<1x128xi32, #tpu.memory_space<vmem>>
      %dma_wait3A_196 = tpu.memref_squeeze %dma_wait3A_195 : memref<1x128xi32, #tpu.memory_space<vmem>> -> memref<128xi32, #tpu.memory_space<vmem>>
      %dma_wait3A_197 = arith.constant 0 : i32
      %dma_wait3A_198 = tpu.memref_slice %arg3[%dma_wait3A_197] : memref<100096xf32, #tpu.memory_space<hbm>> -> memref<100096xf32, #tpu.memory_space<hbm>>
      tpu.wait_indirect_dma semaphore(%arg29 : memref<!tpu.dma_semaphore, #tpu.memory_space<semaphore_mem>>) src(%dma_wait3A_198 : memref<100096xf32, #tpu.memory_space<hbm>>) dst(%dma_wait3A_193 : memref<128xf32, #tpu.memory_space<vmem>>)
      %scan3A_199 = arith.constant 0 : i32
      %scan3A_200 = arith.constant 16 : i32
      %scan3A_201 = arith.addi %scan3A_199, %scan3A_200 : i32
      %scan3A_202 = arith.constant 1 : i32
      scf.for %scan3A_209 = %scan3A_199 to %scan3A_201 step %scan3A_202  : i32 {
        %mul3A_210 = arith.constant 16 : i32
        %mul3A_211 = arith.muli %scan3A_209, %mul3A_210 : i32
        %add3A_212 = arith.constant 0 : i32
        %add3A_213 = arith.addi %add3A_212, %mul3A_211 : i32
        %get3A = arith.index_cast %add3A_213 : i32 to index
        %get3A_214 = tpu.vector_load %arg16[%get3A] {strides = array<i32>} : memref<256xf32, #tpu.memory_space<vmem>>, vector<16xf32>,
        %get3A_215 = arith.index_cast %add3A_213 : i32 to index
        %get3A_216 = tpu.vector_load %arg17[%get3A_215] {strides = array<i32>} : memref<256xf32, #tpu.memory_space<vmem>>, vector<16xf32>,
        %get3A_217 = arith.index_cast %add3A_213 : i32 to index
        %get3A_218 = tpu.vector_load %arg18[%get3A_217] {strides = array<i32>} : memref<256xf32, #tpu.memory_space<vmem>>, vector<16xf32>,
        %get3A_219 = arith.index_cast %add3A_213 : i32 to index
        %get3A_220 = tpu.vector_load %arg19[%get3A_219] {strides = array<i32>} : memref<256xf32, #tpu.memory_space<vmem>>, vector<16xf32>,
        %get3A_221 = arith.index_cast %add3A_213 : i32 to index
        %get3A_222 = tpu.vector_load %arg20[%get3A_221] {strides = array<i32>} : memref<256xf32, #tpu.memory_space<vmem>>, vector<16xf32>,
        %abs3A = math.absf %get3A_220 : vector<16xf32>
        %abs3A_223 = math.absf %get3A_214 : vector<16xf32>
        %max3A = arith.maximumf %abs3A, %abs3A_223 : vector<16xf32>
        %mul3A_224 = arith.mulf %get3A_220, %get3A_214 : vector<16xf32>
        %gt3A = arith.constant 0.000000e+00 : f32
        %gt3A_225 = vector.broadcast %gt3A : f32 to vector<16xf32>
        %gt3A_226 = arith.cmpf ogt, %mul3A_224, %gt3A_225 : vector<16xf32>
        %min3A = arith.minimumf %abs3A, %abs3A_223 : vector<16xf32>
        %sub3A = arith.subf %max3A, %min3A : vector<16xf32>
        %mul3A_227 = arith.constant 1.000000e-10 : f32
        %mul3A_228 = vector.broadcast %mul3A_227 : f32 to vector<16xf32>
        %mul3A_229 = arith.mulf %mul3A_228, %max3A : vector<16xf32>
        %add3A_230 = arith.addf %sub3A, %mul3A_229 : vector<16xf32>
        %add3A_231 = arith.addf %abs3A, %abs3A_223 : vector<16xf32>
        %select_n3A = arith.select %gt3A_226, %add3A_230, %add3A_231 : vector<16xi1>, vector<16xf32>
        %abs3A_232 = math.absf %get3A_222 : vector<16xf32>
        %abs3A_233 = math.absf %get3A_216 : vector<16xf32>
        %max3A_234 = arith.maximumf %abs3A_232, %abs3A_233 : vector<16xf32>
        %mul3A_235 = arith.mulf %get3A_222, %get3A_216 : vector<16xf32>
        %gt3A_236 = arith.constant 0.000000e+00 : f32
        %gt3A_237 = vector.broadcast %gt3A_236 : f32 to vector<16xf32>
        %gt3A_238 = arith.cmpf ogt, %mul3A_235, %gt3A_237 : vector<16xf32>
        %min3A_239 = arith.minimumf %abs3A_232, %abs3A_233 : vector<16xf32>
        %sub3A_240 = arith.subf %max3A_234, %min3A_239 : vector<16xf32>
        %mul3A_241 = arith.constant 1.000000e-10 : f32
        %mul3A_242 = vector.broadcast %mul3A_241 : f32 to vector<16xf32>
        %mul3A_243 = arith.mulf %mul3A_242, %max3A_234 : vector<16xf32>
        %add3A_244 = arith.addf %sub3A_240, %mul3A_243 : vector<16xf32>
        %add3A_245 = arith.addf %abs3A_232, %abs3A_233 : vector<16xf32>
        %select_n3A_246 = arith.select %gt3A_238, %add3A_244, %add3A_245 : vector<16xi1>, vector<16xf32>
        %mul3A_247 = arith.mulf %select_n3A, %select_n3A : vector<16xf32>
        %mul3A_248 = arith.mulf %select_n3A_246, %select_n3A_246 : vector<16xf32>
        %add3A_249 = arith.addf %mul3A_247, %mul3A_248 : vector<16xf32>
        %lt3A = arith.constant 6.85410213 : f32
        %lt3A_250 = vector.broadcast %lt3A : f32 to vector<16xf32>
        %lt3A_251 = arith.cmpf olt, %add3A_249, %lt3A_250 : vector<16xf32>
        %bitcast_convert_type3A = tpu.bitcast %add3A_249 : vector<16xf32> -> vector<16xi32>
        %shift_right_arithmetic3A = arith.constant 1 : i32
        %shift_right_arithmetic3A_252 = vector.broadcast %shift_right_arithmetic3A : i32 to vector<16xi32>
        %shift_right_arithmetic3A_253 = arith.shrsi %bitcast_convert_type3A, %shift_right_arithmetic3A_252 : vector<16xi32>
        %sub3A_254 = arith.constant 1597463007 : i32
        %sub3A_255 = vector.broadcast %sub3A_254 : i32 to vector<16xi32>
        %sub3A_256 = arith.subi %sub3A_255, %shift_right_arithmetic3A_253 : vector<16xi32>
        %bitcast_convert_type3A_257 = tpu.bitcast %sub3A_256 : vector<16xi32> -> vector<16xf32>
        %mul3A_258 = arith.constant 5.000000e-01 : f32
        %mul3A_259 = vector.broadcast %mul3A_258 : f32 to vector<16xf32>
        %mul3A_260 = arith.mulf %mul3A_259, %add3A_249 : vector<16xf32>
        %mul3A_261 = arith.mulf %mul3A_260, %bitcast_convert_type3A_257 : vector<16xf32>
        %mul3A_262 = arith.mulf %mul3A_261, %bitcast_convert_type3A_257 : vector<16xf32>
        %sub3A_263 = arith.constant 1.500000e+00 : f32
        %sub3A_264 = vector.broadcast %sub3A_263 : f32 to vector<16xf32>
        %sub3A_265 = arith.subf %sub3A_264, %mul3A_262 : vector<16xf32>
        %mul3A_266 = arith.mulf %bitcast_convert_type3A_257, %sub3A_265 : vector<16xf32>
        %mul3A_267 = arith.constant 5.000000e-01 : f32
        %mul3A_268 = vector.broadcast %mul3A_267 : f32 to vector<16xf32>
        %mul3A_269 = arith.mulf %mul3A_268, %add3A_249 : vector<16xf32>
        %mul3A_270 = arith.mulf %mul3A_269, %mul3A_266 : vector<16xf32>
        %mul3A_271 = arith.mulf %mul3A_270, %mul3A_266 : vector<16xf32>
        %sub3A_272 = arith.constant 1.500000e+00 : f32
        %sub3A_273 = vector.broadcast %sub3A_272 : f32 to vector<16xf32>
        %sub3A_274 = arith.subf %sub3A_273, %mul3A_271 : vector<16xf32>
        %mul3A_275 = arith.mulf %mul3A_266, %sub3A_274 : vector<16xf32>
        %mul3A_276 = arith.constant 5.000000e-01 : f32
        %mul3A_277 = vector.broadcast %mul3A_276 : f32 to vector<16xf32>
        %mul3A_278 = arith.mulf %mul3A_277, %add3A_249 : vector<16xf32>
        %mul3A_279 = arith.mulf %mul3A_278, %mul3A_275 : vector<16xf32>
        %mul3A_280 = arith.mulf %mul3A_279, %mul3A_275 : vector<16xf32>
        %sub3A_281 = arith.constant 1.500000e+00 : f32
        %sub3A_282 = vector.broadcast %sub3A_281 : f32 to vector<16xf32>
        %sub3A_283 = arith.subf %sub3A_282, %mul3A_280 : vector<16xf32>
        %mul3A_284 = arith.mulf %mul3A_275, %sub3A_283 : vector<16xf32>
        %jit3A = arith.constant 0.000000e+00 : f32
        %broadcast_in_dim3A = vector.broadcast %jit3A : f32 to vector<16xf32>
        %select_n3A_285 = arith.select %lt3A_251, %mul3A_284, %broadcast_in_dim3A : vector<16xi1>, vector<16xf32>
        %mul3A_286 = arith.mulf %get3A_220, %get3A_220 : vector<16xf32>
        %mul3A_287 = arith.mulf %get3A_222, %get3A_222 : vector<16xf32>
        %add3A_288 = arith.addf %mul3A_286, %mul3A_287 : vector<16xf32>
        %mul3A_289 = arith.mulf %get3A_214, %get3A_214 : vector<16xf32>
        %mul3A_290 = arith.mulf %get3A_216, %get3A_216 : vector<16xf32>
        %add3A_291 = arith.addf %mul3A_289, %mul3A_290 : vector<16xf32>
        %mul3A_292 = arith.mulf %add3A_288, %add3A_291 : vector<16xf32>
        %bitcast_convert_type3A_293 = tpu.bitcast %mul3A_292 : vector<16xf32> -> vector<16xi32>
        %shift_right_arithmetic3A_294 = arith.constant 1 : i32
        %shift_right_arithmetic3A_295 = vector.broadcast %shift_right_arithmetic3A_294 : i32 to vector<16xi32>
        %shift_right_arithmetic3A_296 = arith.shrsi %bitcast_convert_type3A_293, %shift_right_arithmetic3A_295 : vector<16xi32>
        %sub3A_297 = arith.constant 1597463007 : i32
        %sub3A_298 = vector.broadcast %sub3A_297 : i32 to vector<16xi32>
        %sub3A_299 = arith.subi %sub3A_298, %shift_right_arithmetic3A_296 : vector<16xi32>
        %bitcast_convert_type3A_300 = tpu.bitcast %sub3A_299 : vector<16xi32> -> vector<16xf32>
        %mul3A_301 = arith.constant 5.000000e-01 : f32
        %mul3A_302 = vector.broadcast %mul3A_301 : f32 to vector<16xf32>
        %mul3A_303 = arith.mulf %mul3A_302, %mul3A_292 : vector<16xf32>
        %mul3A_304 = arith.mulf %mul3A_303, %bitcast_convert_type3A_300 : vector<16xf32>
        %mul3A_305 = arith.mulf %mul3A_304, %bitcast_convert_type3A_300 : vector<16xf32>
        %sub3A_306 = arith.constant 1.500000e+00 : f32
        %sub3A_307 = vector.broadcast %sub3A_306 : f32 to vector<16xf32>
        %sub3A_308 = arith.subf %sub3A_307, %mul3A_305 : vector<16xf32>
        %mul3A_309 = arith.mulf %bitcast_convert_type3A_300, %sub3A_308 : vector<16xf32>
        %mul3A_310 = arith.constant 5.000000e-01 : f32
        %mul3A_311 = vector.broadcast %mul3A_310 : f32 to vector<16xf32>
        %mul3A_312 = arith.mulf %mul3A_311, %mul3A_292 : vector<16xf32>
        %mul3A_313 = arith.mulf %mul3A_312, %mul3A_309 : vector<16xf32>
        %mul3A_314 = arith.mulf %mul3A_313, %mul3A_309 : vector<16xf32>
        %sub3A_315 = arith.constant 1.500000e+00 : f32
        %sub3A_316 = vector.broadcast %sub3A_315 : f32 to vector<16xf32>
        %sub3A_317 = arith.subf %sub3A_316, %mul3A_314 : vector<16xf32>
        %mul3A_318 = arith.mulf %mul3A_309, %sub3A_317 : vector<16xf32>
        %mul3A_319 = arith.constant 5.000000e-01 : f32
        %mul3A_320 = vector.broadcast %mul3A_319 : f32 to vector<16xf32>
        %mul3A_321 = arith.mulf %mul3A_320, %mul3A_292 : vector<16xf32>
        %mul3A_322 = arith.mulf %mul3A_321, %mul3A_318 : vector<16xf32>
        %mul3A_323 = arith.mulf %mul3A_322, %mul3A_318 : vector<16xf32>
        %sub3A_324 = arith.constant 1.500000e+00 : f32
        %sub3A_325 = vector.broadcast %sub3A_324 : f32 to vector<16xf32>
        %sub3A_326 = arith.subf %sub3A_325, %mul3A_323 : vector<16xf32>
        %mul3A_327 = arith.mulf %mul3A_318, %sub3A_326 : vector<16xf32>
        %mul3A_328 = arith.mulf %get3A_216, %get3A_220 : vector<16xf32>
        %mul3A_329 = arith.mulf %get3A_214, %get3A_222 : vector<16xf32>
        %sub3A_330 = arith.subf %mul3A_328, %mul3A_329 : vector<16xf32>
        %mul3A_331 = arith.mulf %sub3A_330, %mul3A_327 : vector<16xf32>
        %mul3A_332 = arith.mulf %select_n3A_285, %get3A_218 : vector<16xf32>
        %swap3A = arith.index_cast %add3A_213 : i32 to index
        %swap3A_333 = tpu.vector_load %arg21[%swap3A] {strides = array<i32>} : memref<256xf32, #tpu.memory_space<vmem>>, vector<16xf32>,
        tpu.vector_store %arg21[%swap3A], %mul3A_332 {strides = array<i32>} : memref<256xf32, #tpu.memory_space<vmem>>, vector<16xf32>,
        %mul3A_334 = arith.mulf %select_n3A_285, %mul3A_331 : vector<16xf32>
        %swap3A_335 = arith.index_cast %add3A_213 : i32 to index
        %swap3A_336 = tpu.vector_load %arg22[%swap3A_335] {strides = array<i32>} : memref<256xf32, #tpu.memory_space<vmem>>, vector<16xf32>,
        tpu.vector_store %arg22[%swap3A_335], %mul3A_334 {strides = array<i32>} : memref<256xf32, #tpu.memory_space<vmem>>, vector<16xf32>,
        %swap3A_337 = arith.index_cast %add3A_213 : i32 to index
        %swap3A_338 = tpu.vector_load %arg23[%swap3A_337] {strides = array<i32>} : memref<256xf32, #tpu.memory_space<vmem>>, vector<16xf32>,
        tpu.vector_store %arg23[%swap3A_337], %select_n3A_285 {strides = array<i32>} : memref<256xf32, #tpu.memory_space<vmem>>, vector<16xf32>,
      }
      %scan3A_203 = arith.constant 16 : i32
      %run_scoped3A = arith.constant 0 : i32
      "tpu.region"() ({
        %run_scoped3A_209 = tpu.sem_alloc : memref<!tpu.dma_semaphore, #tpu.memory_space<semaphore_mem>>
        %dma_start3A_210 = arith.constant 0 : i32
        %dma_start3A_211 = tpu.memref_slice %arg21[%dma_start3A_210] : memref<256xf32, #tpu.memory_space<vmem>> -> memref<128xf32, #tpu.memory_space<vmem>>
        %dma_start3A_212 = arith.constant 0 : i32
        %dma_start3A_213 = tpu.memref_slice %arg15[%run_scoped3A, %dma_start3A_212] : memref<2x128xi32, #tpu.memory_space<vmem>> -> memref<1x128xi32, #tpu.memory_space<vmem>>
        %dma_start3A_214 = tpu.memref_squeeze %dma_start3A_213 : memref<1x128xi32, #tpu.memory_space<vmem>> -> memref<128xi32, #tpu.memory_space<vmem>>
        %dma_start3A_215 = arith.constant 0 : i32
        %dma_start3A_216 = tpu.memref_slice %arg25[%dma_start3A_215] : memref<100096xf32, #tpu.memory_space<vmem_shared>> -> memref<100096xf32, #tpu.memory_space<vmem_shared>>
        tpu.enqueue_indirect_dma source(%dma_start3A_211 : memref<128xf32, #tpu.memory_space<vmem>>) target(%dma_start3A_216 : memref<100096xf32, #tpu.memory_space<vmem_shared>>) offsets(%dma_start3A_214 : memref<128xi32, #tpu.memory_space<vmem>>) semaphore(%run_scoped3A_209 : memref<!tpu.dma_semaphore, #tpu.memory_space<semaphore_mem>>) {add = true}
        %dma_wait3A_217 = arith.constant 0 : i32
        %dma_wait3A_218 = tpu.memref_slice %arg21[%dma_wait3A_217] : memref<256xf32, #tpu.memory_space<vmem>> -> memref<128xf32, #tpu.memory_space<vmem>>
        %dma_wait3A_219 = arith.constant 0 : i32
        %dma_wait3A_220 = tpu.memref_slice %arg15[%run_scoped3A, %dma_wait3A_219] : memref<2x128xi32, #tpu.memory_space<vmem>> -> memref<1x128xi32, #tpu.memory_space<vmem>>
        %dma_wait3A_221 = tpu.memref_squeeze %dma_wait3A_220 : memref<1x128xi32, #tpu.memory_space<vmem>> -> memref<128xi32, #tpu.memory_space<vmem>>
        %dma_wait3A_222 = arith.constant 0 : i32
        %dma_wait3A_223 = tpu.memref_slice %arg25[%dma_wait3A_222] : memref<100096xf32, #tpu.memory_space<vmem_shared>> -> memref<100096xf32, #tpu.memory_space<vmem_shared>>
        tpu.wait_indirect_dma semaphore(%run_scoped3A_209 : memref<!tpu.dma_semaphore, #tpu.memory_space<semaphore_mem>>) src(%dma_wait3A_218 : memref<128xf32, #tpu.memory_space<vmem>>) dst(%dma_wait3A_223 : memref<100096xf32, #tpu.memory_space<vmem_shared>>)
        tpu.yield
      }) : () -> ()
      %run_scoped3A_204 = arith.constant 0 : i32
      "tpu.region"() ({
        %run_scoped3A_209 = tpu.sem_alloc : memref<!tpu.dma_semaphore, #tpu.memory_space<semaphore_mem>>
        %dma_start3A_210 = arith.constant 0 : i32
        %dma_start3A_211 = tpu.memref_slice %arg22[%dma_start3A_210] : memref<256xf32, #tpu.memory_space<vmem>> -> memref<128xf32, #tpu.memory_space<vmem>>
        %dma_start3A_212 = arith.constant 0 : i32
        %dma_start3A_213 = tpu.memref_slice %arg15[%run_scoped3A_204, %dma_start3A_212] : memref<2x128xi32, #tpu.memory_space<vmem>> -> memref<1x128xi32, #tpu.memory_space<vmem>>
        %dma_start3A_214 = tpu.memref_squeeze %dma_start3A_213 : memref<1x128xi32, #tpu.memory_space<vmem>> -> memref<128xi32, #tpu.memory_space<vmem>>
        %dma_start3A_215 = arith.constant 0 : i32
        %dma_start3A_216 = tpu.memref_slice %arg26[%dma_start3A_215] : memref<100096xf32, #tpu.memory_space<vmem_shared>> -> memref<100096xf32, #tpu.memory_space<vmem_shared>>
        tpu.enqueue_indirect_dma source(%dma_start3A_211 : memref<128xf32, #tpu.memory_space<vmem>>) target(%dma_start3A_216 : memref<100096xf32, #tpu.memory_space<vmem_shared>>) offsets(%dma_start3A_214 : memref<128xi32, #tpu.memory_space<vmem>>) semaphore(%run_scoped3A_209 : memref<!tpu.dma_semaphore, #tpu.memory_space<semaphore_mem>>) {add = true}
        %dma_wait3A_217 = arith.constant 0 : i32
        %dma_wait3A_218 = tpu.memref_slice %arg22[%dma_wait3A_217] : memref<256xf32, #tpu.memory_space<vmem>> -> memref<128xf32, #tpu.memory_space<vmem>>
        %dma_wait3A_219 = arith.constant 0 : i32
        %dma_wait3A_220 = tpu.memref_slice %arg15[%run_scoped3A_204, %dma_wait3A_219] : memref<2x128xi32, #tpu.memory_space<vmem>> -> memref<1x128xi32, #tpu.memory_space<vmem>>
        %dma_wait3A_221 = tpu.memref_squeeze %dma_wait3A_220 : memref<1x128xi32, #tpu.memory_space<vmem>> -> memref<128xi32, #tpu.memory_space<vmem>>
        %dma_wait3A_222 = arith.constant 0 : i32
        %dma_wait3A_223 = tpu.memref_slice %arg26[%dma_wait3A_222] : memref<100096xf32, #tpu.memory_space<vmem_shared>> -> memref<100096xf32, #tpu.memory_space<vmem_shared>>
        tpu.wait_indirect_dma semaphore(%run_scoped3A_209 : memref<!tpu.dma_semaphore, #tpu.memory_space<semaphore_mem>>) src(%dma_wait3A_218 : memref<128xf32, #tpu.memory_space<vmem>>) dst(%dma_wait3A_223 : memref<100096xf32, #tpu.memory_space<vmem_shared>>)
        tpu.yield
      }) : () -> ()
      %run_scoped3A_205 = arith.constant 0 : i32
      "tpu.region"() ({
        %run_scoped3A_209 = tpu.sem_alloc : memref<!tpu.dma_semaphore, #tpu.memory_space<semaphore_mem>>
        %dma_start3A_210 = arith.constant 0 : i32
        %dma_start3A_211 = tpu.memref_slice %arg23[%dma_start3A_210] : memref<256xf32, #tpu.memory_space<vmem>> -> memref<128xf32, #tpu.memory_space<vmem>>
        %dma_start3A_212 = arith.constant 0 : i32
        %dma_start3A_213 = tpu.memref_slice %arg15[%run_scoped3A_205, %dma_start3A_212] : memref<2x128xi32, #tpu.memory_space<vmem>> -> memref<1x128xi32, #tpu.memory_space<vmem>>
        %dma_start3A_214 = tpu.memref_squeeze %dma_start3A_213 : memref<1x128xi32, #tpu.memory_space<vmem>> -> memref<128xi32, #tpu.memory_space<vmem>>
        %dma_start3A_215 = arith.constant 0 : i32
        %dma_start3A_216 = tpu.memref_slice %arg27[%dma_start3A_215] : memref<100096xf32, #tpu.memory_space<vmem_shared>> -> memref<100096xf32, #tpu.memory_space<vmem_shared>>
        tpu.enqueue_indirect_dma source(%dma_start3A_211 : memref<128xf32, #tpu.memory_space<vmem>>) target(%dma_start3A_216 : memref<100096xf32, #tpu.memory_space<vmem_shared>>) offsets(%dma_start3A_214 : memref<128xi32, #tpu.memory_space<vmem>>) semaphore(%run_scoped3A_209 : memref<!tpu.dma_semaphore, #tpu.memory_space<semaphore_mem>>) {add = true}
        %dma_wait3A_217 = arith.constant 0 : i32
        %dma_wait3A_218 = tpu.memref_slice %arg23[%dma_wait3A_217] : memref<256xf32, #tpu.memory_space<vmem>> -> memref<128xf32, #tpu.memory_space<vmem>>
        %dma_wait3A_219 = arith.constant 0 : i32
        %dma_wait3A_220 = tpu.memref_slice %arg15[%run_scoped3A_205, %dma_wait3A_219] : memref<2x128xi32, #tpu.memory_space<vmem>> -> memref<1x128xi32, #tpu.memory_space<vmem>>
        %dma_wait3A_221 = tpu.memref_squeeze %dma_wait3A_220 : memref<1x128xi32, #tpu.memory_space<vmem>> -> memref<128xi32, #tpu.memory_space<vmem>>
        %dma_wait3A_222 = arith.constant 0 : i32
        %dma_wait3A_223 = tpu.memref_slice %arg27[%dma_wait3A_222] : memref<100096xf32, #tpu.memory_space<vmem_shared>> -> memref<100096xf32, #tpu.memory_space<vmem_shared>>
        tpu.wait_indirect_dma semaphore(%run_scoped3A_209 : memref<!tpu.dma_semaphore, #tpu.memory_space<semaphore_mem>>) src(%dma_wait3A_218 : memref<128xf32, #tpu.memory_space<vmem>>) dst(%dma_wait3A_223 : memref<100096xf32, #tpu.memory_space<vmem_shared>>)
        tpu.yield
      }) : () -> ()
      %run_scoped3A_206 = arith.constant 1 : i32
      "tpu.region"() ({
        %run_scoped3A_209 = tpu.sem_alloc : memref<!tpu.dma_semaphore, #tpu.memory_space<semaphore_mem>>
        %dma_start3A_210 = arith.constant 128 : i32
        %dma_start3A_211 = tpu.memref_slice %arg21[%dma_start3A_210] : memref<256xf32, #tpu.memory_space<vmem>> -> memref<128xf32, #tpu.memory_space<vmem>>
        %dma_start3A_212 = arith.constant 0 : i32
        %dma_start3A_213 = tpu.memref_slice %arg15[%run_scoped3A_206, %dma_start3A_212] : memref<2x128xi32, #tpu.memory_space<vmem>> -> memref<1x128xi32, #tpu.memory_space<vmem>>
        %dma_start3A_214 = tpu.memref_squeeze %dma_start3A_213 : memref<1x128xi32, #tpu.memory_space<vmem>> -> memref<128xi32, #tpu.memory_space<vmem>>
        %dma_start3A_215 = arith.constant 0 : i32
        %dma_start3A_216 = tpu.memref_slice %arg25[%dma_start3A_215] : memref<100096xf32, #tpu.memory_space<vmem_shared>> -> memref<100096xf32, #tpu.memory_space<vmem_shared>>
        tpu.enqueue_indirect_dma source(%dma_start3A_211 : memref<128xf32, #tpu.memory_space<vmem>>) target(%dma_start3A_216 : memref<100096xf32, #tpu.memory_space<vmem_shared>>) offsets(%dma_start3A_214 : memref<128xi32, #tpu.memory_space<vmem>>) semaphore(%run_scoped3A_209 : memref<!tpu.dma_semaphore, #tpu.memory_space<semaphore_mem>>) {add = true}
        %dma_wait3A_217 = arith.constant 128 : i32
        %dma_wait3A_218 = tpu.memref_slice %arg21[%dma_wait3A_217] : memref<256xf32, #tpu.memory_space<vmem>> -> memref<128xf32, #tpu.memory_space<vmem>>
        %dma_wait3A_219 = arith.constant 0 : i32
        %dma_wait3A_220 = tpu.memref_slice %arg15[%run_scoped3A_206, %dma_wait3A_219] : memref<2x128xi32, #tpu.memory_space<vmem>> -> memref<1x128xi32, #tpu.memory_space<vmem>>
        %dma_wait3A_221 = tpu.memref_squeeze %dma_wait3A_220 : memref<1x128xi32, #tpu.memory_space<vmem>> -> memref<128xi32, #tpu.memory_space<vmem>>
        %dma_wait3A_222 = arith.constant 0 : i32
        %dma_wait3A_223 = tpu.memref_slice %arg25[%dma_wait3A_222] : memref<100096xf32, #tpu.memory_space<vmem_shared>> -> memref<100096xf32, #tpu.memory_space<vmem_shared>>
        tpu.wait_indirect_dma semaphore(%run_scoped3A_209 : memref<!tpu.dma_semaphore, #tpu.memory_space<semaphore_mem>>) src(%dma_wait3A_218 : memref<128xf32, #tpu.memory_space<vmem>>) dst(%dma_wait3A_223 : memref<100096xf32, #tpu.memory_space<vmem_shared>>)
        tpu.yield
      }) : () -> ()
      %run_scoped3A_207 = arith.constant 1 : i32
      "tpu.region"() ({
        %run_scoped3A_209 = tpu.sem_alloc : memref<!tpu.dma_semaphore, #tpu.memory_space<semaphore_mem>>
        %dma_start3A_210 = arith.constant 128 : i32
        %dma_start3A_211 = tpu.memref_slice %arg22[%dma_start3A_210] : memref<256xf32, #tpu.memory_space<vmem>> -> memref<128xf32, #tpu.memory_space<vmem>>
        %dma_start3A_212 = arith.constant 0 : i32
        %dma_start3A_213 = tpu.memref_slice %arg15[%run_scoped3A_207, %dma_start3A_212] : memref<2x128xi32, #tpu.memory_space<vmem>> -> memref<1x128xi32, #tpu.memory_space<vmem>>
        %dma_start3A_214 = tpu.memref_squeeze %dma_start3A_213 : memref<1x128xi32, #tpu.memory_space<vmem>> -> memref<128xi32, #tpu.memory_space<vmem>>
        %dma_start3A_215 = arith.constant 0 : i32
        %dma_start3A_216 = tpu.memref_slice %arg26[%dma_start3A_215] : memref<100096xf32, #tpu.memory_space<vmem_shared>> -> memref<100096xf32, #tpu.memory_space<vmem_shared>>
        tpu.enqueue_indirect_dma source(%dma_start3A_211 : memref<128xf32, #tpu.memory_space<vmem>>) target(%dma_start3A_216 : memref<100096xf32, #tpu.memory_space<vmem_shared>>) offsets(%dma_start3A_214 : memref<128xi32, #tpu.memory_space<vmem>>) semaphore(%run_scoped3A_209 : memref<!tpu.dma_semaphore, #tpu.memory_space<semaphore_mem>>) {add = true}
        %dma_wait3A_217 = arith.constant 128 : i32
        %dma_wait3A_218 = tpu.memref_slice %arg22[%dma_wait3A_217] : memref<256xf32, #tpu.memory_space<vmem>> -> memref<128xf32, #tpu.memory_space<vmem>>
        %dma_wait3A_219 = arith.constant 0 : i32
        %dma_wait3A_220 = tpu.memref_slice %arg15[%run_scoped3A_207, %dma_wait3A_219] : memref<2x128xi32, #tpu.memory_space<vmem>> -> memref<1x128xi32, #tpu.memory_space<vmem>>
        %dma_wait3A_221 = tpu.memref_squeeze %dma_wait3A_220 : memref<1x128xi32, #tpu.memory_space<vmem>> -> memref<128xi32, #tpu.memory_space<vmem>>
        %dma_wait3A_222 = arith.constant 0 : i32
        %dma_wait3A_223 = tpu.memref_slice %arg26[%dma_wait3A_222] : memref<100096xf32, #tpu.memory_space<vmem_shared>> -> memref<100096xf32, #tpu.memory_space<vmem_shared>>
        tpu.wait_indirect_dma semaphore(%run_scoped3A_209 : memref<!tpu.dma_semaphore, #tpu.memory_space<semaphore_mem>>) src(%dma_wait3A_218 : memref<128xf32, #tpu.memory_space<vmem>>) dst(%dma_wait3A_223 : memref<100096xf32, #tpu.memory_space<vmem_shared>>)
        tpu.yield
      }) : () -> ()
      %run_scoped3A_208 = arith.constant 1 : i32
      "tpu.region"() ({
        %run_scoped3A_209 = tpu.sem_alloc : memref<!tpu.dma_semaphore, #tpu.memory_space<semaphore_mem>>
        %dma_start3A_210 = arith.constant 128 : i32
        %dma_start3A_211 = tpu.memref_slice %arg23[%dma_start3A_210] : memref<256xf32, #tpu.memory_space<vmem>> -> memref<128xf32, #tpu.memory_space<vmem>>
        %dma_start3A_212 = arith.constant 0 : i32
        %dma_start3A_213 = tpu.memref_slice %arg15[%run_scoped3A_208, %dma_start3A_212] : memref<2x128xi32, #tpu.memory_space<vmem>> -> memref<1x128xi32, #tpu.memory_space<vmem>>
        %dma_start3A_214 = tpu.memref_squeeze %dma_start3A_213 : memref<1x128xi32, #tpu.memory_space<vmem>> -> memref<128xi32, #tpu.memory_space<vmem>>
        %dma_start3A_215 = arith.constant 0 : i32
        %dma_start3A_216 = tpu.memref_slice %arg27[%dma_start3A_215] : memref<100096xf32, #tpu.memory_space<vmem_shared>> -> memref<100096xf32, #tpu.memory_space<vmem_shared>>
        tpu.enqueue_indirect_dma source(%dma_start3A_211 : memref<128xf32, #tpu.memory_space<vmem>>) target(%dma_start3A_216 : memref<100096xf32, #tpu.memory_space<vmem_shared>>) offsets(%dma_start3A_214 : memref<128xi32, #tpu.memory_space<vmem>>) semaphore(%run_scoped3A_209 : memref<!tpu.dma_semaphore, #tpu.memory_space<semaphore_mem>>) {add = true}
        %dma_wait3A_217 = arith.constant 128 : i32
        %dma_wait3A_218 = tpu.memref_slice %arg23[%dma_wait3A_217] : memref<256xf32, #tpu.memory_space<vmem>> -> memref<128xf32, #tpu.memory_space<vmem>>
        %dma_wait3A_219 = arith.constant 0 : i32
        %dma_wait3A_220 = tpu.memref_slice %arg15[%run_scoped3A_208, %dma_wait3A_219] : memref<2x128xi32, #tpu.memory_space<vmem>> -> memref<1x128xi32, #tpu.memory_space<vmem>>
        %dma_wait3A_221 = tpu.memref_squeeze %dma_wait3A_220 : memref<1x128xi32, #tpu.memory_space<vmem>> -> memref<128xi32, #tpu.memory_space<vmem>>
        %dma_wait3A_222 = arith.constant 0 : i32
        %dma_wait3A_223 = tpu.memref_slice %arg27[%dma_wait3A_222] : memref<100096xf32, #tpu.memory_space<vmem_shared>> -> memref<100096xf32, #tpu.memory_space<vmem_shared>>
        tpu.wait_indirect_dma semaphore(%run_scoped3A_209 : memref<!tpu.dma_semaphore, #tpu.memory_space<semaphore_mem>>) src(%dma_wait3A_218 : memref<128xf32, #tpu.memory_space<vmem>>) dst(%dma_wait3A_223 : memref<100096xf32, #tpu.memory_space<vmem_shared>>)
        tpu.yield
      }) : () -> ()
    }
    %scan3A_6 = arith.constant 784 : i32
    %barrier3A_7 = arith.constant 0 : index
    tpu.barrier barrier_id(%barrier3A_7)
    %eq3A = arith.constant 0 : i32
    %eq3A_8 = arith.cmpi eq, %arg0, %eq3A : i32
    %convert_element_type3A = arith.extui %eq3A_8 : i1 to i32
    %cond3A = arith.constant 0 : i32
    %cond3A_9 = arith.cmpi ne, %convert_element_type3A, %cond3A : i32
    scf.if %cond3A_9 {
      "tpu.region"() ({
        %run_scoped3A = tpu.sem_alloc : memref<!tpu.dma_semaphore, #tpu.memory_space<semaphore_mem>>
        %dma_start3A = tpu.memref_slice %arg25[%mul3A_2] : memref<100096xf32, #tpu.memory_space<vmem_shared>> -> memref<6256xf32, #tpu.memory_space<vmem_shared>>
        %dma_start3A_15 = tpu.memref_slice %arg25[%mul3A_2] : memref<100096xf32, #tpu.memory_space<vmem_shared>> -> memref<6256xf32, #tpu.memory_space<vmem_shared>>
        tpu.enqueue_dma source(%dma_start3A_15 : memref<6256xf32, #tpu.memory_space<vmem_shared>>) target(%arg24 : memref<6256xf32, #tpu.memory_space<vmem>>) target_semaphore(%run_scoped3A : memref<!tpu.dma_semaphore, #tpu.memory_space<semaphore_mem>>)
        %dma_wait3A = tpu.memref_slice %arg25[%mul3A_2] : memref<100096xf32, #tpu.memory_space<vmem_shared>> -> memref<6256xf32, #tpu.memory_space<vmem_shared>>
        %dma_wait3A_16 = tpu.memref_slice %arg25[%mul3A_2] : memref<100096xf32, #tpu.memory_space<vmem_shared>> -> memref<6256xf32, #tpu.memory_space<vmem_shared>>
        tpu.wait_dma2 semaphore(%run_scoped3A : memref<!tpu.dma_semaphore, #tpu.memory_space<semaphore_mem>>) src(%dma_wait3A_16 : memref<6256xf32, #tpu.memory_space<vmem_shared>>) dst(%arg24 : memref<6256xf32, #tpu.memory_space<vmem>>)
        tpu.yield
      }) : () -> ()
      "tpu.region"() ({
        %run_scoped3A = tpu.sem_alloc : memref<!tpu.dma_semaphore, #tpu.memory_space<semaphore_mem>>
        %dma_start3A = tpu.memref_slice %arg8[%mul3A_2] : memref<100096xf32, #tpu.memory_space<hbm>> -> memref<6256xf32, #tpu.memory_space<hbm>>
        %dma_start3A_15 = tpu.memref_slice %arg8[%mul3A_2] : memref<100096xf32, #tpu.memory_space<hbm>> -> memref<6256xf32, #tpu.memory_space<hbm>>
        tpu.enqueue_dma source(%arg24 : memref<6256xf32, #tpu.memory_space<vmem>>) target(%dma_start3A_15 : memref<6256xf32, #tpu.memory_space<hbm>>) target_semaphore(%run_scoped3A : memref<!tpu.dma_semaphore, #tpu.memory_space<semaphore_mem>>)
        %dma_wait3A = tpu.memref_slice %arg8[%mul3A_2] : memref<100096xf32, #tpu.memory_space<hbm>> -> memref<6256xf32, #tpu.memory_space<hbm>>
        %dma_wait3A_16 = tpu.memref_slice %arg8[%mul3A_2] : memref<100096xf32, #tpu.memory_space<hbm>> -> memref<6256xf32, #tpu.memory_space<hbm>>
        tpu.wait_dma2 semaphore(%run_scoped3A : memref<!tpu.dma_semaphore, #tpu.memory_space<semaphore_mem>>) src(%arg24 : memref<6256xf32, #tpu.memory_space<vmem>>) dst(%dma_wait3A_16 : memref<6256xf32, #tpu.memory_space<hbm>>)
        tpu.yield
      }) : () -> ()
      "tpu.region"() ({
        %run_scoped3A = tpu.sem_alloc : memref<!tpu.dma_semaphore, #tpu.memory_space<semaphore_mem>>
        %dma_start3A = tpu.memref_slice %arg26[%mul3A_2] : memref<100096xf32, #tpu.memory_space<vmem_shared>> -> memref<6256xf32, #tpu.memory_space<vmem_shared>>
        %dma_start3A_15 = tpu.memref_slice %arg26[%mul3A_2] : memref<100096xf32, #tpu.memory_space<vmem_shared>> -> memref<6256xf32, #tpu.memory_space<vmem_shared>>
        tpu.enqueue_dma source(%dma_start3A_15 : memref<6256xf32, #tpu.memory_space<vmem_shared>>) target(%arg24 : memref<6256xf32, #tpu.memory_space<vmem>>) target_semaphore(%run_scoped3A : memref<!tpu.dma_semaphore, #tpu.memory_space<semaphore_mem>>)
        %dma_wait3A = tpu.memref_slice %arg26[%mul3A_2] : memref<100096xf32, #tpu.memory_space<vmem_shared>> -> memref<6256xf32, #tpu.memory_space<vmem_shared>>
        %dma_wait3A_16 = tpu.memref_slice %arg26[%mul3A_2] : memref<100096xf32, #tpu.memory_space<vmem_shared>> -> memref<6256xf32, #tpu.memory_space<vmem_shared>>
        tpu.wait_dma2 semaphore(%run_scoped3A : memref<!tpu.dma_semaphore, #tpu.memory_space<semaphore_mem>>) src(%dma_wait3A_16 : memref<6256xf32, #tpu.memory_space<vmem_shared>>) dst(%arg24 : memref<6256xf32, #tpu.memory_space<vmem>>)
        tpu.yield
      }) : () -> ()
      "tpu.region"() ({
        %run_scoped3A = tpu.sem_alloc : memref<!tpu.dma_semaphore, #tpu.memory_space<semaphore_mem>>
        %dma_start3A = tpu.memref_slice %arg9[%mul3A_2] : memref<100096xf32, #tpu.memory_space<hbm>> -> memref<6256xf32, #tpu.memory_space<hbm>>
        %dma_start3A_15 = tpu.memref_slice %arg9[%mul3A_2] : memref<100096xf32, #tpu.memory_space<hbm>> -> memref<6256xf32, #tpu.memory_space<hbm>>
        tpu.enqueue_dma source(%arg24 : memref<6256xf32, #tpu.memory_space<vmem>>) target(%dma_start3A_15 : memref<6256xf32, #tpu.memory_space<hbm>>) target_semaphore(%run_scoped3A : memref<!tpu.dma_semaphore, #tpu.memory_space<semaphore_mem>>)
        %dma_wait3A = tpu.memref_slice %arg9[%mul3A_2] : memref<100096xf32, #tpu.memory_space<hbm>> -> memref<6256xf32, #tpu.memory_space<hbm>>
        %dma_wait3A_16 = tpu.memref_slice %arg9[%mul3A_2] : memref<100096xf32, #tpu.memory_space<hbm>> -> memref<6256xf32, #tpu.memory_space<hbm>>
        tpu.wait_dma2 semaphore(%run_scoped3A : memref<!tpu.dma_semaphore, #tpu.memory_space<semaphore_mem>>) src(%arg24 : memref<6256xf32, #tpu.memory_space<vmem>>) dst(%dma_wait3A_16 : memref<6256xf32, #tpu.memory_space<hbm>>)
        tpu.yield
      }) : () -> ()
      "tpu.region"() ({
        %run_scoped3A = tpu.sem_alloc : memref<!tpu.dma_semaphore, #tpu.memory_space<semaphore_mem>>
        %dma_start3A = tpu.memref_slice %arg27[%mul3A_2] : memref<100096xf32, #tpu.memory_space<vmem_shared>> -> memref<6256xf32, #tpu.memory_space<vmem_shared>>
        %dma_start3A_15 = tpu.memref_slice %arg27[%mul3A_2] : memref<100096xf32, #tpu.memory_space<vmem_shared>> -> memref<6256xf32, #tpu.memory_space<vmem_shared>>
        tpu.enqueue_dma source(%dma_start3A_15 : memref<6256xf32, #tpu.memory_space<vmem_shared>>) target(%arg24 : memref<6256xf32, #tpu.memory_space<vmem>>) target_semaphore(%run_scoped3A : memref<!tpu.dma_semaphore, #tpu.memory_space<semaphore_mem>>)
        %dma_wait3A = tpu.memref_slice %arg27[%mul3A_2] : memref<100096xf32, #tpu.memory_space<vmem_shared>> -> memref<6256xf32, #tpu.memory_space<vmem_shared>>
        %dma_wait3A_16 = tpu.memref_slice %arg27[%mul3A_2] : memref<100096xf32, #tpu.memory_space<vmem_shared>> -> memref<6256xf32, #tpu.memory_space<vmem_shared>>
        tpu.wait_dma2 semaphore(%run_scoped3A : memref<!tpu.dma_semaphore, #tpu.memory_space<semaphore_mem>>) src(%dma_wait3A_16 : memref<6256xf32, #tpu.memory_space<vmem_shared>>) dst(%arg24 : memref<6256xf32, #tpu.memory_space<vmem>>)
        tpu.yield
      }) : () -> ()
      "tpu.region"() ({
        %run_scoped3A = tpu.sem_alloc : memref<!tpu.dma_semaphore, #tpu.memory_space<semaphore_mem>>
        %dma_start3A = tpu.memref_slice %arg10[%mul3A_2] : memref<100096xf32, #tpu.memory_space<hbm>> -> memref<6256xf32, #tpu.memory_space<hbm>>
        %dma_start3A_15 = tpu.memref_slice %arg10[%mul3A_2] : memref<100096xf32, #tpu.memory_space<hbm>> -> memref<6256xf32, #tpu.memory_space<hbm>>
        tpu.enqueue_dma source(%arg24 : memref<6256xf32, #tpu.memory_space<vmem>>) target(%dma_start3A_15 : memref<6256xf32, #tpu.memory_space<hbm>>) target_semaphore(%run_scoped3A : memref<!tpu.dma_semaphore, #tpu.memory_space<semaphore_mem>>)
        %dma_wait3A = tpu.memref_slice %arg10[%mul3A_2] : memref<100096xf32, #tpu.memory_space<hbm>> -> memref<6256xf32, #tpu.memory_space<hbm>>
        %dma_wait3A_16 = tpu.memref_slice %arg10[%mul3A_2] : memref<100096xf32, #tpu.memory_space<hbm>> -> memref<6256xf32, #tpu.memory_space<hbm>>
        tpu.wait_dma2 semaphore(%run_scoped3A : memref<!tpu.dma_semaphore, #tpu.memory_space<semaphore_mem>>) src(%arg24 : memref<6256xf32, #tpu.memory_space<vmem>>) dst(%dma_wait3A_16 : memref<6256xf32, #tpu.memory_space<hbm>>)
        tpu.yield
      }) : () -> ()
    } else {
    }
    %eq3A_10 = arith.constant 1 : i32
    %eq3A_11 = arith.cmpi eq, %arg0, %eq3A_10 : i32
    %convert_element_type3A_12 = arith.extui %eq3A_11 : i1 to i32
    %cond3A_13 = arith.constant 0 : i32
    %cond3A_14 = arith.cmpi ne, %convert_element_type3A_12, %cond3A_13 : i32
    scf.if %cond3A_14 {
      "tpu.region"() ({
        %run_scoped3A = tpu.sem_alloc : memref<!tpu.dma_semaphore, #tpu.memory_space<semaphore_mem>>
        %dma_start3A = tpu.memref_slice %arg25[%mul3A_2] : memref<100096xf32, #tpu.memory_space<vmem_shared>> -> memref<6256xf32, #tpu.memory_space<vmem_shared>>
        %dma_start3A_15 = tpu.memref_slice %arg25[%mul3A_2] : memref<100096xf32, #tpu.memory_space<vmem_shared>> -> memref<6256xf32, #tpu.memory_space<vmem_shared>>
        tpu.enqueue_dma source(%dma_start3A_15 : memref<6256xf32, #tpu.memory_space<vmem_shared>>) target(%arg24 : memref<6256xf32, #tpu.memory_space<vmem>>) target_semaphore(%run_scoped3A : memref<!tpu.dma_semaphore, #tpu.memory_space<semaphore_mem>>)
        %dma_wait3A = tpu.memref_slice %arg25[%mul3A_2] : memref<100096xf32, #tpu.memory_space<vmem_shared>> -> memref<6256xf32, #tpu.memory_space<vmem_shared>>
        %dma_wait3A_16 = tpu.memref_slice %arg25[%mul3A_2] : memref<100096xf32, #tpu.memory_space<vmem_shared>> -> memref<6256xf32, #tpu.memory_space<vmem_shared>>
        tpu.wait_dma2 semaphore(%run_scoped3A : memref<!tpu.dma_semaphore, #tpu.memory_space<semaphore_mem>>) src(%dma_wait3A_16 : memref<6256xf32, #tpu.memory_space<vmem_shared>>) dst(%arg24 : memref<6256xf32, #tpu.memory_space<vmem>>)
        tpu.yield
      }) : () -> ()
      "tpu.region"() ({
        %run_scoped3A = tpu.sem_alloc : memref<!tpu.dma_semaphore, #tpu.memory_space<semaphore_mem>>
        %dma_start3A = tpu.memref_slice %arg11[%mul3A_2] : memref<100096xf32, #tpu.memory_space<hbm>> -> memref<6256xf32, #tpu.memory_space<hbm>>
        %dma_start3A_15 = tpu.memref_slice %arg11[%mul3A_2] : memref<100096xf32, #tpu.memory_space<hbm>> -> memref<6256xf32, #tpu.memory_space<hbm>>
        tpu.enqueue_dma source(%arg24 : memref<6256xf32, #tpu.memory_space<vmem>>) target(%dma_start3A_15 : memref<6256xf32, #tpu.memory_space<hbm>>) target_semaphore(%run_scoped3A : memref<!tpu.dma_semaphore, #tpu.memory_space<semaphore_mem>>)
        %dma_wait3A = tpu.memref_slice %arg11[%mul3A_2] : memref<100096xf32, #tpu.memory_space<hbm>> -> memref<6256xf32, #tpu.memory_space<hbm>>
        %dma_wait3A_16 = tpu.memref_slice %arg11[%mul3A_2] : memref<100096xf32, #tpu.memory_space<hbm>> -> memref<6256xf32, #tpu.memory_space<hbm>>
        tpu.wait_dma2 semaphore(%run_scoped3A : memref<!tpu.dma_semaphore, #tpu.memory_space<semaphore_mem>>) src(%arg24 : memref<6256xf32, #tpu.memory_space<vmem>>) dst(%dma_wait3A_16 : memref<6256xf32, #tpu.memory_space<hbm>>)
        tpu.yield
      }) : () -> ()
      "tpu.region"() ({
        %run_scoped3A = tpu.sem_alloc : memref<!tpu.dma_semaphore, #tpu.memory_space<semaphore_mem>>
        %dma_start3A = tpu.memref_slice %arg26[%mul3A_2] : memref<100096xf32, #tpu.memory_space<vmem_shared>> -> memref<6256xf32, #tpu.memory_space<vmem_shared>>
        %dma_start3A_15 = tpu.memref_slice %arg26[%mul3A_2] : memref<100096xf32, #tpu.memory_space<vmem_shared>> -> memref<6256xf32, #tpu.memory_space<vmem_shared>>
        tpu.enqueue_dma source(%dma_start3A_15 : memref<6256xf32, #tpu.memory_space<vmem_shared>>) target(%arg24 : memref<6256xf32, #tpu.memory_space<vmem>>) target_semaphore(%run_scoped3A : memref<!tpu.dma_semaphore, #tpu.memory_space<semaphore_mem>>)
        %dma_wait3A = tpu.memref_slice %arg26[%mul3A_2] : memref<100096xf32, #tpu.memory_space<vmem_shared>> -> memref<6256xf32, #tpu.memory_space<vmem_shared>>
        %dma_wait3A_16 = tpu.memref_slice %arg26[%mul3A_2] : memref<100096xf32, #tpu.memory_space<vmem_shared>> -> memref<6256xf32, #tpu.memory_space<vmem_shared>>
        tpu.wait_dma2 semaphore(%run_scoped3A : memref<!tpu.dma_semaphore, #tpu.memory_space<semaphore_mem>>) src(%dma_wait3A_16 : memref<6256xf32, #tpu.memory_space<vmem_shared>>) dst(%arg24 : memref<6256xf32, #tpu.memory_space<vmem>>)
        tpu.yield
      }) : () -> ()
      "tpu.region"() ({
        %run_scoped3A = tpu.sem_alloc : memref<!tpu.dma_semaphore, #tpu.memory_space<semaphore_mem>>
        %dma_start3A = tpu.memref_slice %arg12[%mul3A_2] : memref<100096xf32, #tpu.memory_space<hbm>> -> memref<6256xf32, #tpu.memory_space<hbm>>
        %dma_start3A_15 = tpu.memref_slice %arg12[%mul3A_2] : memref<100096xf32, #tpu.memory_space<hbm>> -> memref<6256xf32, #tpu.memory_space<hbm>>
        tpu.enqueue_dma source(%arg24 : memref<6256xf32, #tpu.memory_space<vmem>>) target(%dma_start3A_15 : memref<6256xf32, #tpu.memory_space<hbm>>) target_semaphore(%run_scoped3A : memref<!tpu.dma_semaphore, #tpu.memory_space<semaphore_mem>>)
        %dma_wait3A = tpu.memref_slice %arg12[%mul3A_2] : memref<100096xf32, #tpu.memory_space<hbm>> -> memref<6256xf32, #tpu.memory_space<hbm>>
        %dma_wait3A_16 = tpu.memref_slice %arg12[%mul3A_2] : memref<100096xf32, #tpu.memory_space<hbm>> -> memref<6256xf32, #tpu.memory_space<hbm>>
        tpu.wait_dma2 semaphore(%run_scoped3A : memref<!tpu.dma_semaphore, #tpu.memory_space<semaphore_mem>>) src(%arg24 : memref<6256xf32, #tpu.memory_space<vmem>>) dst(%dma_wait3A_16 : memref<6256xf32, #tpu.memory_space<hbm>>)
        tpu.yield
      }) : () -> ()
      "tpu.region"() ({
        %run_scoped3A = tpu.sem_alloc : memref<!tpu.dma_semaphore, #tpu.memory_space<semaphore_mem>>
        %dma_start3A = tpu.memref_slice %arg27[%mul3A_2] : memref<100096xf32, #tpu.memory_space<vmem_shared>> -> memref<6256xf32, #tpu.memory_space<vmem_shared>>
        %dma_start3A_15 = tpu.memref_slice %arg27[%mul3A_2] : memref<100096xf32, #tpu.memory_space<vmem_shared>> -> memref<6256xf32, #tpu.memory_space<vmem_shared>>
        tpu.enqueue_dma source(%dma_start3A_15 : memref<6256xf32, #tpu.memory_space<vmem_shared>>) target(%arg24 : memref<6256xf32, #tpu.memory_space<vmem>>) target_semaphore(%run_scoped3A : memref<!tpu.dma_semaphore, #tpu.memory_space<semaphore_mem>>)
        %dma_wait3A = tpu.memref_slice %arg27[%mul3A_2] : memref<100096xf32, #tpu.memory_space<vmem_shared>> -> memref<6256xf32, #tpu.memory_space<vmem_shared>>
        %dma_wait3A_16 = tpu.memref_slice %arg27[%mul3A_2] : memref<100096xf32, #tpu.memory_space<vmem_shared>> -> memref<6256xf32, #tpu.memory_space<vmem_shared>>
        tpu.wait_dma2 semaphore(%run_scoped3A : memref<!tpu.dma_semaphore, #tpu.memory_space<semaphore_mem>>) src(%dma_wait3A_16 : memref<6256xf32, #tpu.memory_space<vmem_shared>>) dst(%arg24 : memref<6256xf32, #tpu.memory_space<vmem>>)
        tpu.yield
      }) : () -> ()
      "tpu.region"() ({
        %run_scoped3A = tpu.sem_alloc : memref<!tpu.dma_semaphore, #tpu.memory_space<semaphore_mem>>
        %dma_start3A = tpu.memref_slice %arg13[%mul3A_2] : memref<100096xf32, #tpu.memory_space<hbm>> -> memref<6256xf32, #tpu.memory_space<hbm>>
        %dma_start3A_15 = tpu.memref_slice %arg13[%mul3A_2] : memref<100096xf32, #tpu.memory_space<hbm>> -> memref<6256xf32, #tpu.memory_space<hbm>>
        tpu.enqueue_dma source(%arg24 : memref<6256xf32, #tpu.memory_space<vmem>>) target(%dma_start3A_15 : memref<6256xf32, #tpu.memory_space<hbm>>) target_semaphore(%run_scoped3A : memref<!tpu.dma_semaphore, #tpu.memory_space<semaphore_mem>>)
        %dma_wait3A = tpu.memref_slice %arg13[%mul3A_2] : memref<100096xf32, #tpu.memory_space<hbm>> -> memref<6256xf32, #tpu.memory_space<hbm>>
        %dma_wait3A_16 = tpu.memref_slice %arg13[%mul3A_2] : memref<100096xf32, #tpu.memory_space<hbm>> -> memref<6256xf32, #tpu.memory_space<hbm>>
        tpu.wait_dma2 semaphore(%run_scoped3A : memref<!tpu.dma_semaphore, #tpu.memory_space<semaphore_mem>>) src(%arg24 : memref<6256xf32, #tpu.memory_space<vmem>>) dst(%dma_wait3A_16 : memref<6256xf32, #tpu.memory_space<hbm>>)
        tpu.yield
      }) : () -> ()
    } else {
    }
    return
  }
}

module attributes {stable_mosaic.version = 14 : i64} {
  func.func @_prelude_body(%arg0: memref<100096xf32, #tpu.memory_space<vmem>>, %arg1: memref<100096xf32, #tpu.memory_space<vmem>>, %arg2: memref<100096xf32, #tpu.memory_space<vmem>>, %arg3: memref<100096xf32, #tpu.memory_space<vmem>>) attributes {dimension_semantics = [], scalar_prefetch = 0 : i64, scratch_operands = 0 : i64, tpu.core_type = #tpu.core_type<tc>} {
    %get3A = arith.constant 0 : index
    %get3A_0 = vector.load %arg0[%get3A] : memref<100096xf32, #tpu.memory_space<vmem>>, vector<100096xf32>
    %get3A_1 = arith.constant 0 : index
    %get3A_2 = vector.load %arg1[%get3A_1] : memref<100096xf32, #tpu.memory_space<vmem>>, vector<100096xf32>
    %cos3A = math.cos %get3A_2 : vector<100096xf32>
    %sin3A = math.sin %get3A_2 : vector<100096xf32>
    %exp3A = math.exp %get3A_0 : vector<100096xf32>
    %sign3A = tpu.bitcast %cos3A : vector<100096xf32> -> vector<100096xi32>
    %sign3A_3 = arith.constant -2147483648 : i32
    %sign3A_4 = vector.broadcast %sign3A_3 : i32 to vector<100096xi32>
    %sign3A_5 = arith.andi %sign3A, %sign3A_4 : vector<100096xi32>
    %sign3A_6 = arith.constant 1065353216 : i32
    %sign3A_7 = vector.broadcast %sign3A_6 : i32 to vector<100096xi32>
    %sign3A_8 = arith.ori %sign3A_7, %sign3A_5 : vector<100096xi32>
    %sign3A_9 = tpu.bitcast %sign3A_8 : vector<100096xi32> -> vector<100096xf32>
    %sign3A_10 = math.absf %cos3A : vector<100096xf32>
    %sign3A_11 = arith.constant 0.000000e+00 : f32
    %sign3A_12 = vector.broadcast %sign3A_11 : f32 to vector<100096xf32>
    %sign3A_13 = arith.cmpf ogt, %sign3A_10, %sign3A_12 : vector<100096xf32>
    %sign3A_14 = arith.select %sign3A_13, %sign3A_9, %cos3A : vector<100096xi1>, vector<100096xf32>
    %mul3A = arith.mulf %sign3A_14, %exp3A : vector<100096xf32>
    %abs3A = math.absf %cos3A : vector<100096xf32>
    %add3A = arith.constant 1.000000e-10 : f32
    %add3A_15 = vector.broadcast %add3A : f32 to vector<100096xf32>
    %add3A_16 = arith.addf %abs3A, %add3A_15 : vector<100096xf32>
    %mul3A_17 = arith.mulf %mul3A, %add3A_16 : vector<100096xf32>
    %swap3A = arith.constant 0 : index
    %swap3A_18 = vector.load %arg2[%swap3A] : memref<100096xf32, #tpu.memory_space<vmem>>, vector<100096xf32>
    tpu.vector_store %arg2[%swap3A], %mul3A_17 {strides = array<i32>} : memref<100096xf32, #tpu.memory_space<vmem>>, vector<100096xf32>,
    %sign3A_19 = tpu.bitcast %sin3A : vector<100096xf32> -> vector<100096xi32>
    %sign3A_20 = arith.constant -2147483648 : i32
    %sign3A_21 = vector.broadcast %sign3A_20 : i32 to vector<100096xi32>
    %sign3A_22 = arith.andi %sign3A_19, %sign3A_21 : vector<100096xi32>
    %sign3A_23 = arith.constant 1065353216 : i32
    %sign3A_24 = vector.broadcast %sign3A_23 : i32 to vector<100096xi32>
    %sign3A_25 = arith.ori %sign3A_24, %sign3A_22 : vector<100096xi32>
    %sign3A_26 = tpu.bitcast %sign3A_25 : vector<100096xi32> -> vector<100096xf32>
    %sign3A_27 = math.absf %sin3A : vector<100096xf32>
    %sign3A_28 = arith.constant 0.000000e+00 : f32
    %sign3A_29 = vector.broadcast %sign3A_28 : f32 to vector<100096xf32>
    %sign3A_30 = arith.cmpf ogt, %sign3A_27, %sign3A_29 : vector<100096xf32>
    %sign3A_31 = arith.select %sign3A_30, %sign3A_26, %sin3A : vector<100096xi1>, vector<100096xf32>
    %mul3A_32 = arith.mulf %sign3A_31, %exp3A : vector<100096xf32>
    %abs3A_33 = math.absf %sin3A : vector<100096xf32>
    %add3A_34 = arith.constant 1.000000e-10 : f32
    %add3A_35 = vector.broadcast %add3A_34 : f32 to vector<100096xf32>
    %add3A_36 = arith.addf %abs3A_33, %add3A_35 : vector<100096xf32>
    %mul3A_37 = arith.mulf %mul3A_32, %add3A_36 : vector<100096xf32>
    %swap3A_38 = arith.constant 0 : index
    %swap3A_39 = vector.load %arg3[%swap3A_38] : memref<100096xf32, #tpu.memory_space<vmem>>, vector<100096xf32>
    tpu.vector_store %arg3[%swap3A_38], %mul3A_37 {strides = array<i32>} : memref<100096xf32, #tpu.memory_space<vmem>>, vector<100096xf32>,
    return
  }
}

module attributes {stable_mosaic.version = 14 : i64} {
  func.func @_epilogue_body(%arg0: memref<100096xf32, #tpu.memory_space<vmem>>, %arg1: memref<100096xf32, #tpu.memory_space<vmem>>, %arg2: memref<100096xf32, #tpu.memory_space<vmem>>, %arg3: memref<100096xf32, #tpu.memory_space<vmem>>, %arg4: memref<100096xf32, #tpu.memory_space<vmem>>, %arg5: memref<100096xf32, #tpu.memory_space<vmem>>, %arg6: memref<100096xf32, #tpu.memory_space<vmem>>, %arg7: memref<100096xf32, #tpu.memory_space<vmem>>, %arg8: memref<2x100096xf32, #tpu.memory_space<vmem>>) attributes {dimension_semantics = [], scalar_prefetch = 0 : i64, scratch_operands = 0 : i64, tpu.core_type = #tpu.core_type<tc>} {
    %get3A = arith.constant 0 : index
    %get3A_0 = vector.load %arg2[%get3A] : memref<100096xf32, #tpu.memory_space<vmem>>, vector<100096xf32>
    %get3A_1 = arith.constant 0 : index
    %get3A_2 = vector.load %arg5[%get3A_1] : memref<100096xf32, #tpu.memory_space<vmem>>, vector<100096xf32>
    %add3A = arith.addf %get3A_0, %get3A_2 : vector<100096xf32>
    %add3A_3 = arith.constant 1.000000e-10 : f32
    %add3A_4 = vector.broadcast %add3A_3 : f32 to vector<100096xf32>
    %add3A_5 = arith.addf %add3A, %add3A_4 : vector<100096xf32>
    %div3A = arith.constant 0.381966025 : f32
    %div3A_6 = vector.broadcast %div3A : f32 to vector<100096xf32>
    %div3A_7 = arith.divf %div3A_6, %add3A_5 : vector<100096xf32>
    %get3A_8 = arith.constant 0 : index
    %get3A_9 = vector.load %arg6[%get3A_8] : memref<100096xf32, #tpu.memory_space<vmem>>, vector<100096xf32>
    %get3A_10 = arith.constant 0 : index
    %get3A_11 = vector.load %arg0[%get3A_10] : memref<100096xf32, #tpu.memory_space<vmem>>, vector<100096xf32>
    %get3A_12 = arith.constant 0 : index
    %get3A_13 = vector.load %arg3[%get3A_12] : memref<100096xf32, #tpu.memory_space<vmem>>, vector<100096xf32>
    %add3A_14 = arith.addf %get3A_11, %get3A_13 : vector<100096xf32>
    %mul3A = arith.mulf %add3A_14, %div3A_7 : vector<100096xf32>
    %add3A_15 = arith.addf %get3A_9, %mul3A : vector<100096xf32>
    %swap3A = arith.constant 0 : index
    %swap3A_16 = arith.constant 0 : index
    %swap3A_17 = vector.load %arg8[%swap3A, %swap3A_16] : memref<2x100096xf32, #tpu.memory_space<vmem>>, vector<1x100096xf32>
    %swap3A_18 = vector.shape_cast %swap3A_17 : vector<1x100096xf32> to vector<100096xf32>
    %swap3A_19 = vector.shape_cast %add3A_15 : vector<100096xf32> to vector<1x100096xf32>
    tpu.vector_store %arg8[%swap3A, %swap3A_16], %swap3A_19 {strides = array<i32>} : memref<2x100096xf32, #tpu.memory_space<vmem>>, vector<1x100096xf32>,
    %get3A_20 = arith.constant 0 : index
    %get3A_21 = vector.load %arg7[%get3A_20] : memref<100096xf32, #tpu.memory_space<vmem>>, vector<100096xf32>
    %get3A_22 = arith.constant 0 : index
    %get3A_23 = vector.load %arg1[%get3A_22] : memref<100096xf32, #tpu.memory_space<vmem>>, vector<100096xf32>
    %get3A_24 = arith.constant 0 : index
    %get3A_25 = vector.load %arg4[%get3A_24] : memref<100096xf32, #tpu.memory_space<vmem>>, vector<100096xf32>
    %add3A_26 = arith.addf %get3A_23, %get3A_25 : vector<100096xf32>
    %mul3A_27 = arith.mulf %add3A_26, %div3A_7 : vector<100096xf32>
    %add3A_28 = arith.addf %get3A_21, %mul3A_27 : vector<100096xf32>
    %swap3A_29 = arith.constant 1 : index
    %swap3A_30 = arith.constant 0 : index
    %swap3A_31 = vector.load %arg8[%swap3A_29, %swap3A_30] : memref<2x100096xf32, #tpu.memory_space<vmem>>, vector<1x100096xf32>
    %swap3A_32 = vector.shape_cast %swap3A_31 : vector<1x100096xf32> to vector<100096xf32>
    %swap3A_33 = vector.shape_cast %add3A_28 : vector<100096xf32> to vector<1x100096xf32>
    tpu.vector_store %arg8[%swap3A_29, %swap3A_30], %swap3A_33 {strides = array<i32>} : memref<2x100096xf32, #tpu.memory_space<vmem>>, vector<1x100096xf32>,
    return
  }
}

</mosaic_0001>

<sc_bundles>
// kernel: kernel.5.cloned.1.call-start
scs
__scs_entry_jumppad:
0x0: {  	(pc) =	sbr.rel $0x88, $3  }
0x1: {  	(tag) =	ssettag $0x0;
	lr =	simm.s32 $0x1  }
0x2: {  	[smem:$0x3F9E] =	sst lr;
	_ =	strace $0xD0000000  }
0x3: {  	_ = 	snop  }
0x4: {  	_ = 	snop  }
0x5: {  	_ = 	snop  }
0x6: {  	_ = 	snop  }
0x7: {  	_ = 	snop  }
__scs_overlays_trampoline_lowered:
0x8: {  	[smem:$0x3FAD] =	sst s0  }
0x9: {  	[smem:$0x3FAE] =	sst s1  }
0xa: {  	[smem:$0x3FAF] =	sst s2  }
0xb: {  	[smem:$0x3FB0] =	sst s3  }
0xc: {  	[smem:$0x3FB1] =	sst s4  }
0xd: {  	[smem:$0x3FB2] =	sst s5  }
0xe: {  	[smem:$0x3FB3] =	sst s6  }
0xf: {  	[smem:$0x3FB4] =	sst s7  }
0x10: {  	[smem:$0x3FB5] =	sst s8  }
0x11: {  	[smem:$0x3FB6] =	sst s9;
	s0 =	simm.s32 @!p0 $0x0  }
0x12: {  	s1 =	sld [smem:$0x3F9C];
	s0 =	simm.s32 @p0 $0x1  }
0x13: {  	[smem:$0x3FB7] =	sst s0;
	s0 =	simm.s32 @!p1 $0x0  }
0x14: {  	s2 =	sld [smem:$0x3F9B];
	s0 =	simm.s32 @p1 $0x1  }
0x15: {  	[smem:$0x3FB8] =	sst s0;
	s0 =	simm.s32 @!p2 $0x0  }
0x16: {  	s3 =	sld [smem:$0x3FDB];
	s0 =	simm.s32 @p2 $0x1  }
0x17: {  	s4 =	simm.s32 $0x1BF5;
	[smem:$0x3FBA] =	sst s0  }
0x18: {  	s0 =	sld [smem:$0x3F9D];
	_ =	swait.ge [sflag:s4], $0x0  }
0x19: {  	s7 =	sld [smem:$0x3F9E]  }
0x1a: {  	s8 =	sadd.s32 $0xFFFFE003, lr  }
0x1b: {  	s9 =	sadd.s32 $0xFFFFFEF7, lr;
	s5 =	simm.s32 $0xFFFFFFFF;
	p2 =	slt.u32 s8, $0xFFFFF086  }
0x1c: {  	p1 =	slt.u32 s9, $0xF7A;
	s5 =	simm.s32 @!p2 $0x0  }
0x1d: {  	s5 =	simm.s32 @p1 $0x1;
	p0 =	seq.s32 s7, s2  }
0x1e: {  	s7 =	smul.u32 @!p0 $0xF7A, s2;
	p2 =	seq.s32 @!p0 s5, $0x0  }
0x1f: {  	s9 =	smul.u32 $0xF7A, s1;
	s8 =	simm.s32 @!p0 $0x1BF5;
	p2 =	por !p2, p0  }
0x20: {  	[sflag:s8] =	ssyncset.s32 @!p0 $0xFFFFF086;
	s6 =	sadd.s32 @!p0 s3, s7;
	s7 =	simm.s32 @!p0 $0x108  }
0x21: {  	s3 =	sadd.s32 s3, s9;
	s6 =	sadd.s32 @!p0 $0x88, s6;
	s7 =	simm.s32 @p2 $0x1082  }
0x22: {  	[simem:s7], [sflag:s8] =	dma.local @!p0 [hbm:s6], $0xF7A  }
0x23: {  	s9 =	sor.u32 $0xD0000000, s2;
	s6 =	simm.s32 $0x108;
	_ =	swait.ge @!p0 [sflag:s8], $0x0  }
0x24: {  	s3 =	sadd.s32 $0x88, s3;
	s6 =	simm.s32 @!p1 $0x1082;
	[sflag:s4] =	ssyncset.s32 $0xFFFFF086  }
0x25: {  	[simem:s6], [sflag:s4] =	dma.local [hbm:s3], $0xF7A  }
0x26: {  	[smem:$0x3F9E] =	sst s1;
	(tag) =	ssettag s2;
	_ =	strace s9  }
0x27: {  	s1 =	sld [smem:$0x3FAE]  }
0x28: {  	s2 =	sld [smem:$0x3FAF]  }
0x29: {  	s4 =	sld [smem:$0x3FB1]  }
0x2a: {  	p0 =	seq.s32 s5, $0x0;
	s5 =	sld [smem:$0x3FB2]  }
0x2b: {  	s6 =	sld [smem:$0x3FB3]  }
0x2c: {  	s7 =	sld [smem:$0x3FB4]  }
0x2d: {  	s3 =	simm.s32 $0x108;
	s8 =	sld [smem:$0x3FB5]  }
0x2e: {  	s3 =	simm.s32 @!p0 $0x1082;
	s9 =	sld [smem:$0x3FB6]  }
0x2f: {  	lr =	sadd.s32 s0, s3;
	s0 =	sld [smem:$0x3FAD]  }
0x30: {  	s3 =	sld [smem:$0x3FB0]  }
0x31: {  	[smem:$0x3FB9] =	sst s10  }
0x32: {  	s10 =	sld [smem:$0x3FB7];
	_ =	sdelay $0x3  }
0x33: {  	p0 =	seq.s32 s10, $0x1;
	s10 =	sld [smem:$0x3FB9];
	_ =	sdelay $0x3  }
0x34: {  	[smem:$0x3FB9] =	sst s10  }
0x35: {  	s10 =	sld [smem:$0x3FB8];
	_ =	sdelay $0x3  }
0x36: {  	p1 =	seq.s32 s10, $0x1;
	s10 =	sld [smem:$0x3FB9];
	_ =	sdelay $0x3  }
0x37: {  	[smem:$0x3FB9] =	sst s10  }
0x38: {  	s10 =	sld [smem:$0x3FBA]  }
0x39: {  	_ = 	snop;
	(pc) =	sbr.ind lr, $3  }
0x3a: {  	_ = 	snop  }
0x3b: {  	_ = 	snop  }
0x3c: {  	p2 =	seq.s32 s10, $0x1;
	s10 =	sld [smem:$0x3FB9]  }
0x3d: {  	_ =	shalt  }
0x3e: {  	_ =	shalt  }
0x3f: {  	_ =	shalt  }
0x40: {  	_ =	shalt  }
0x41: {  	_ =	shalt  }
0x42: {  	_ =	shalt  }
0x43: {  	_ =	shalt  }
0x44: {  	_ =	shalt  }
0x45: {  	_ =	shalt  }
0x46: {  	_ =	shalt  }
0x47: {  	_ =	shalt  }
0x48: {  	_ =	shalt  }
0x49: {  	_ =	shalt  }
0x4a: {  	_ =	shalt  }
0x4b: {  	_ =	shalt  }
0x4c: {  	_ =	shalt  }
0x4d: {  	_ =	shalt  }
0x4e: {  	_ =	shalt  }
0x4f: {  	_ =	shalt  }
0x50: {  	_ =	shalt  }
0x51: {  	_ =	shalt  }
0x52: {  	_ =	shalt  }
0x53: {  	_ =	shalt  }
0x54: {  	_ =	shalt  }
0x55: {  	_ =	shalt  }
0x56: {  	_ =	shalt  }
0x57: {  	_ =	shalt  }
0x58: {  	_ =	shalt  }
0x59: {  	_ =	shalt  }
0x5a: {  	_ =	shalt  }
0x5b: {  	_ =	shalt  }
0x5c: {  	_ =	shalt  }
0x5d: {  	_ =	shalt  }
0x5e: {  	_ =	shalt  }
0x5f: {  	_ =	shalt  }
0x60: {  	_ =	shalt  }
0x61: {  	_ =	shalt  }
0x62: {  	_ =	shalt  }
0x63: {  	_ =	shalt  }
0x64: {  	_ =	shalt  }
0x65: {  	_ =	shalt  }
0x66: {  	_ =	shalt  }
0x67: {  	_ =	shalt  }
0x68: {  	_ =	shalt  }
0x69: {  	_ =	shalt  }
0x6a: {  	_ =	shalt  }
0x6b: {  	_ =	shalt  }
0x6c: {  	_ =	shalt  }
0x6d: {  	_ =	shalt  }
0x6e: {  	_ =	shalt  }
0x6f: {  	_ =	shalt  }
0x70: {  	_ =	shalt  }
0x71: {  	_ =	shalt  }
0x72: {  	_ =	shalt  }
0x73: {  	_ =	shalt  }
0x74: {  	_ =	shalt  }
0x75: {  	_ =	shalt  }
0x76: {  	_ =	shalt  }
0x77: {  	_ =	shalt  }
0x78: {  	_ =	shalt  }
0x79: {  	_ =	shalt  }
0x7a: {  	_ =	shalt  }
0x7b: {  	_ =	shalt  }
0x7c: {  	_ =	shalt  }
0x7d: {  	_ =	shalt  }
0x7e: {  	_ =	shalt  }
0x7f: {  	_ =	shalt  }
0x80: {  	_ =	shalt  }
0x81: {  	_ =	shalt  }
0x82: {  	_ =	shalt  }
0x83: {  	_ =	shalt  }
0x84: {  	_ =	shalt  }
0x85: {  	_ =	shalt  }
0x86: {  	_ =	shalt  }
0x87: {  	_ =	shalt  }
.Lfunc_end0:
.L_simem_size_0:
called_computation_lowered:
.L_overlay_start_0:
0x88: {  	s2 =	sld [smem:$0x3FD9]  }
0x89: {  	s3 =	sld [smem:$0x3FFE];
	_ =	sdelay $0x1  }
0x8a: {  	s1 =	srdreg.scid  }
0x8b: {  	s0 =	sand.u32 $0x1, s1  }
0x8c: {  	s17 =	sshll.u32 s0, $0xA;
	s2 =	sadd.s32 s3, s2  }
0x8d: {  	s2 =	sadd.s32 s2, s17  }
0x8e: {  	[smem:$0x3FC5] =	sst s2  }
0x8f: {  	_ = 	snop  }
0x90: {  	s2 =	sld [smem:$0x3FD0];
	(tm) =	ssettm $0x1  }
0x91: {  	s18 =	sld [smem:$0x3FFB];
	_ =	sdelay $0x3  }
0x92: {  	_ =	strace s18  }
0x93: {  	s3 =	sld [smem:$0x3FFC];
	_ =	sdelay $0x3  }
0x94: {  	_ =	strace s3  }
0x95: {  	s3 =	sld [smem:$0x3FFD];
	_ =	sdelay $0x3  }
0x96: {  	_ =	strace s3  }
0x97: {  	_ =	strace $0x8FFFFFFF  }
0x98: {  	s19 =	sld [smem:$0x3FDB];
	_ =	sdelay $0x1  }
0x99: {  	s4 =	simm.s32 $_scs_section_size  }
0x9a: {  	s5 =	simm.s32 $_size__tile_overlayer_lowered;
	s6 =	simm.s32 $_tile_overlayer_lowered  }
0x9b: {  	s22 =	simm.s32 $0x1BFF;
	s21 =	sshll.u32 s6, $0x1;
	s3 =	sadd.s32 s4, s19  }
0x9c: {  	s7 =	simm.s32 $0x0;
	s20 =	sshll.u32 s5, $0x1;
	s5 =	sadd.s32 s21, s3  }
0x9d: {  	[timem:s7], [sflag:s22] =	dma.local [hbm:s5], s20  }
0x9e: {  	_ =	swait.ge [sflag:s22], s20  }
0x9f: {  	s4 =	ssub.s32 $0x0, s20;
	[sflag:s22] =	ssyncset.done $0x0  }
0xa0: {  	[sflag:s22] =	ssyncadd.s32 s4;
	_ =	sdelay $0x1  }
0xa1: {  	s23 =	simm.s32 $0x1B8B  }
0xa2: {  	_ =	swait.ge [sflag:s23], $0x1  }
0xa3: {  	[sflag:s23] =	ssyncset.done $0x0  }
0xa4: {  	s25 =	simm.s32 $0x1B8E;
	s24 =	sld [smem:$0x3FFE];
	[sflag:s23] =	ssyncadd.s32 $0xFFFFFFFF  }
0xa5: {  	s26 =	simm.s32 $execute0_lowered;
	[smem:$0x3FD2] =	sst s25  }
0xa6: {  	s5 =	sshll.u32 s26, $0x1;
	_ =	strace $0x80000046;
	[dreg:$0x1] =	wrdreg $0xFFFFFFFF  }
0xa7: {  	s28 =	simm.s32 $_size_execute0_lowered;
	s3 =	sadd.s32 s3, s5;
	[dreg:$0x0] =	wrdreg $0x0  }
0xa8: {  	s5 =	sshll.u32 s28, $0x1;
	[dreg:$0x2] =	wrdreg s3  }
0xa9: {  	[dreg:$0x3] =	wrdreg s5  }
0xaa: {  	[dreg:$0x4] =	wrdreg $0xC0  }
0xab: {  	_ =	task [dreg:s7], $0x5FFFF  }
0xac: {  	[dreg:$0x1] =	wrdreg $0xFFFFFFFF  }
0xad: {  	[dreg:$0x0] =	wrdreg $0x60  }
0xae: {  	[dreg:$0x2] =	wrdreg s2  }
0xaf: {  	[dreg:$0x3] =	wrdreg s24  }
0xb0: {  	[dreg:$0x4] =	wrdreg $0x22700  }
0xb1: {  	[dreg:$0x5] =	wrdreg $0x3AE00  }
0xb2: {  	[dreg:$0x6] =	wrdreg $0x53500  }
0xb3: {  	[dreg:$0x7] =	wrdreg $0x9  }
0xb4: {  	_ =	task.clear_ibuf [dreg:s7], $0x8FFFF;
	_ =	strace $0x90000046  }
0xb5: {  	s29 =	simm.s32 $0x9;
	_ =	strace $0x80000048  }
0xb6: {  	_ =	swait.ge [sflag:s29], $0x1  }
0xb7: {  	[sflag:s29] =	ssyncadd.s32 $0xFFFFFFFF  }
0xb8: {  	_ =	strace $0x90000048  }
0xb9: {  	_ =	sfence  }
0xba: {  	s30 =	sld [smem:$0x0];
	_ =	sdelay $0x2  }
0xbb: {  	s31 =	sshll.u32 s1, $0xD;
	s1 =	sshrl.u32 s1, $0x2  }
0xbc: {  	s3 =	sand.u32 $0x4000, s31;
	s1 =	sadd.s32 s1, s30  }
0xbd: {  	s0 =	sor.u32 s3, s0;
	s1 =	sshll.u32 s1, $0x11  }
0xbe: {  	s0 =	sor.u32 s1, s0  }
0xbf: {  	s0 =	sadd.s32 $0x8F2B, s0  }
0xc0: {  	[sflag:s0] =	ssyncadd.remote.s32 $0x1  }
0xc1: {  	_ =	sfence.sel $0xFFFF  }
0xc2: {  	[dreg:$0x0] =	wrdreg $0xFFFFFFFF;
	(pc) =	sbr.abs _section_cstart, $3  }
0xc3: {  	[dreg:$0x1] =	wrdreg $0xFFFFFFFF  }
0xc4: {  	_ =	task.clear_ibuf [dreg:s7], $0x2FFFF;
	_ =	strace $0x9FFFFFFF  }
0xc5: {  	(tm) =	ssettm $0x7FFFFFFF  }
tec
execute0_lowered:
.L_overlay_start_1:
0x0: {  	(tag) =	ssettag $0x1  }
0x1: {  	s1 =	rddreg [dreg:$0x0]  }
0x2: {  	s0 =	rddreg [dreg:$0x1]  }
0x3: {  	s2 =	rddreg [dreg:$0x2]  }
0x4: {  	s4 =	rddreg [dreg:$0x3]  }
0x5: {  	s5 =	rddreg [dreg:$0x4];
	s25 =	simm.s32 $0x0  }
0x6: {  	s21 =	stileid.u32;
	s13 =	srdreg.scid;
	s31 =	simm.s32 $0xA00  }
0x7: {  	[smem:$0x7FF] =	sst s25;
	s3 =	smul.u32 $0x1870, s21;
	s7 =	sadd.s32 $0x5200, s0  }
0x8: {  	s8 =	sadd.s32 $0x2000, s0;
	s9 =	sadd.s32 $0x18C800, s0;
	s10 =	sadd.s32 $0xC8800, s0  }
0x9: {  	s12 =	sadd.s32 $0xB600, s0;
	s14 =	sadd.s32 $0xE800, s0;
	s16 =	sadd.s32 $0x11A00, s0  }
0xa: {  	s13 =	sand.u32 $0x1, s13;
	s17 =	sadd.s32 $0x14C00, s0;
	s18 =	sadd.s32 $0x17E00, s0  }
0xb: {  	_ =	strace $0x80000047;
	s15 =	ssub.s32 $0x2, s13;
	s20 =	sshll.u32 s13, $0x4  }
0xc: {  	p0 =	seq.s32 s13, $0x1;
	s13 =	simm.s32 $0x780;
	s6 =	sshrl.u32 s3, $0x3  }
0xd: {  	s19 =	sshrl.u32 s15, $0x1;
	s21 =	sor.u32 s21, s20;
	s28 =	sadd.s32 s3, s2  }
0xe: {  	s29 =	sadd.s32 s3, s4;
	s30 =	sadd.s32 s3, s5;
	s12 =	smov.u32 @p0 s17  }
0xf: {  	s14 =	smov.u32 @p0 s18;
	s3 =	simm.s32 $0x480;
	s17 =	simm.s32 $0x680  }
0x10: {  	s18 =	simm.s32 $0x2;
	s20 =	simm.s32 $0x980;
	s11 =	sadd.s32 s6, s0  }
0x11: {  	s0 =	sadd.s32 $0x1B000, s0;
	s19 =	ssub.s32 s15, s19;
	s15 =	smul.u32 $0x310, s21  }
0x12: {  	s23 =	sadd.s32 s12, s6;
	s24 =	sadd.s32 s14, s6;
	[dreg:$0x7] =	wrdreg s28  }
0x13: {  	s21 =	simm.s32 $0x3;
	s12 =	simm.s32 $0x900;
	[dreg:$0x8] =	wrdreg s29  }
0x14: {  	s14 =	simm.s32 $0x880;
	[dreg:$0x9] =	wrdreg s30;
	s11 =	sadd.s32 $0x8400, s11  }
0x15: {  	s22 =	smax.u32 s19, $0x1;
	s16 =	smov.u32 @p0 s0;
	[dreg:$0xb] =	wrdreg s23  }
0x16: {  	[dreg:$0xc] =	wrdreg s24;
	s23 =	simm.s32 $0x1;
	s24 =	simm.s32 $0x80  }
0x17: {  	s0 =	simm.s32 $0x380;
	s19 =	simm.s32 $0x700;
	[dreg:$0x6] =	wrdreg s11  }
0x18: {  	[dreg:$0xa] =	wrdreg s22;
	s26 =	sadd.s32 s16, s6;
	s22 =	simm.s32 $0x100  }
0x19: {  	s11 =	simm.s32 $0x180;
	[dreg:$0xd] =	wrdreg s26;
	s26 =	simm.s32 $0x0  }
0x1a: {  	s16 =	simm.s32 $0x580;
	s6 =	simm.s32 $0x800;
	[dreg:$0xe] =	wrdreg s26  }
.LBB2_1:
0x1b: {  	s26 =	rddreg [dreg:$0x6]  }
0x1c: {  	[tilespmem:s31], [sflag:$0x3] =	stream.linear.gather [hbm4b:s26+s25], $0x1870, $0x38;
	[tilespmem:$0x6BC0] =	vst v63  }
0x1d: {  	_ =	swait.ge [sflag:s21], $0x1870  }
0x1e: {  	[sflag:s21] =	ssyncset.done $0x0  }
0x1f: {  	[sflag:s21] =	ssyncadd.s32 $0xFFFFE790  }
0x20: {  	[spmem:s28] =	stream.linear.scatter [tilespmem:s31], [sflag:$0x3], $0x1870, $0x38;
	[tilespmem:$0x6BC0] =	vst v63  }
0x21: {  	_ =	swait.ge [sflag:s21], $0x1870  }
0x22: {  	[sflag:s21] =	ssyncset.done $0x0  }
0x23: {  	[sflag:s21] =	ssyncadd.s32 $0xFFFFE790  }
0x24: {  	[spmem:s29] =	stream.linear.scatter [tilespmem:s31], [sflag:$0x3], $0x1870, $0x38;
	[tilespmem:$0x6BC0] =	vst v63  }
0x25: {  	_ =	swait.ge [sflag:s21], $0x1870  }
0x26: {  	[sflag:s21] =	ssyncset.done $0x0  }
0x27: {  	[sflag:s21] =	ssyncadd.s32 $0xFFFFE790  }
0x28: {  	[spmem:s30] =	stream.linear.scatter [tilespmem:s31], [sflag:$0x3], $0x1870, $0x38;
	[tilespmem:$0x6BC0] =	vst v63  }
0x29: {  	_ =	swait.ge [sflag:s21], $0x1870  }
0x2a: {  	[sflag:s21] =	ssyncset.done $0x0  }
0x2b: {  	[sflag:s21] =	ssyncadd.s32 $0xFFFFE790  }
0x2c: {  	s25 =	simm.s32 $0x0;
	[bflag:$0x0] =	sbarrier.arrive $0xFFFF  }
.LBB2_2:
0x2d: {  	s26 =	sadd.s32 s15, s25  }
0x2e: {  	s26 =	sshll.u32 s26, $0x5  }
0x2f: {  	s29 =	simm.s32 $0x0;
	s28 =	sadd.s32 s9, s26  }
0x30: {  	[tilespmem:s29], [sflag:$0x1] =	stream.linear.gather [hbm4b:s28+s29], $0x100, $0x38;
	[tilespmem:$0x6BC0] =	vst v63  }
0x31: {  	s26 =	sadd.s32 s10, s26  }
0x32: {  	[tilespmem:s22], [sflag:$0x1] =	stream.linear.gather [hbm4b:s26+s29], $0x100, $0x38;
	[tilespmem:$0x6BC0] =	vst v63  }
0x33: {  	_ =	swait.ge [sflag:s23], $0x100  }
0x34: {  	[sflag:s23] =	ssyncset.done $0x0  }
0x35: {  	[sflag:s23] =	ssyncadd.s32 $0xFFFFFF00  }
0x36: {  	_ =	swait.ge [sflag:s23], $0x100  }
0x37: {  	[sflag:s23] =	ssyncset.done $0x0  }
0x38: {  	s31 =	simm.s32 $0x200;
	[sflag:s23] =	ssyncadd.s32 $0xFFFFFF00  }
0x39: {  	[tilespmem:s31], [sflag:$0x2] =	stream.indirect.gather [hbm4b:s1+s24], $0x1, s29, s24, $0xb8;
	[tilespmem:$0x6BC0] =	vst v63  }
0x3a: {  	s31 =	simm.s32 $0x300  }
0x3b: {  	[tilespmem:s31], [sflag:$0x2] =	stream.indirect.gather [hbm4b:s7+s24], $0x1, s29, s24, $0xb8;
	[tilespmem:$0x6BC0] =	vst v63  }
0x3c: {  	s31 =	simm.s32 $0x400  }
0x3d: {  	[tilespmem:s31], [sflag:$0x2] =	stream.indirect.gather [hbm4b:s8+s24], $0x1, s29, s24, $0xb8;
	[tilespmem:$0x6BC0] =	vst v63  }
0x3e: {  	s31 =	simm.s32 $0x500  }
0x3f: {  	[tilespmem:s31], [sflag:$0x2] =	stream.indirect.gather [hbm4b:s1+s24], $0x1, s22, s24, $0xb8;
	[tilespmem:$0x6BC0] =	vst v63  }
0x40: {  	s31 =	simm.s32 $0x600  }
0x41: {  	[tilespmem:s31], [sflag:$0x2] =	stream.indirect.gather [hbm4b:s7+s24], $0x1, s22, s24, $0xb8;
	[tilespmem:$0x6BC0] =	vst v63  }
0x42: {  	s31 =	simm.s32 $0x280  }
0x43: {  	[tilespmem:s31], [sflag:$0x2] =	stream.indirect.gather [hbm4b:s1+s24], $0x1, s24, s24, $0xb8;
	[tilespmem:$0x6BC0] =	vst v63  }
0x44: {  	_ = 	snop  }
0x45: {  	[tilespmem:s0], [sflag:$0x2] =	stream.indirect.gather [hbm4b:s7+s24], $0x1, s24, s24, $0xb8;
	[tilespmem:$0x6BC0] =	vst v63  }
0x46: {  	_ = 	snop  }
0x47: {  	[tilespmem:s3], [sflag:$0x2] =	stream.indirect.gather [hbm4b:s8+s24], $0x1, s24, s24, $0xb8;
	[tilespmem:$0x6BC0] =	vst v63  }
0x48: {  	_ = 	snop  }
0x49: {  	[tilespmem:s16], [sflag:$0x2] =	stream.indirect.gather [hbm4b:s1+s24], $0x1, s11, s24, $0xb8;
	[tilespmem:$0x6BC0] =	vst v63  }
0x4a: {  	_ = 	snop  }
0x4b: {  	[tilespmem:s17], [sflag:$0x2] =	stream.indirect.gather [hbm4b:s7+s24], $0x1, s11, s24, $0xb8;
	[tilespmem:$0x6BC0] =	vst v63  }
0x4c: {  	_ =	swait.ge [sflag:s18], $0x80  }
0x4d: {  	[sflag:s18] =	ssyncset.done $0x0  }
0x4e: {  	[sflag:s18] =	ssyncadd.s32 $0xFFFFFF80  }
0x4f: {  	_ =	swait.ge [sflag:s18], $0x80  }
0x50: {  	[sflag:s18] =	ssyncset.done $0x0  }
0x51: {  	[sflag:s18] =	ssyncadd.s32 $0xFFFFFF80  }
0x52: {  	_ =	swait.ge [sflag:s18], $0x80  }
0x53: {  	[sflag:s18] =	ssyncset.done $0x0  }
0x54: {  	[sflag:s18] =	ssyncadd.s32 $0xFFFFFF80  }
0x55: {  	_ =	swait.ge [sflag:s18], $0x80  }
0x56: {  	[sflag:s18] =	ssyncset.done $0x0  }
0x57: {  	[sflag:s18] =	ssyncadd.s32 $0xFFFFFF80  }
0x58: {  	_ =	swait.ge [sflag:s18], $0x80  }
0x59: {  	[sflag:s18] =	ssyncset.done $0x0  }
0x5a: {  	[sflag:s18] =	ssyncadd.s32 $0xFFFFFF80  }
0x5b: {  	_ =	swait.ge [sflag:s18], $0x80  }
0x5c: {  	[sflag:s18] =	ssyncset.done $0x0  }
0x5d: {  	[sflag:s18] =	ssyncadd.s32 $0xFFFFFF80  }
0x5e: {  	_ =	swait.ge [sflag:s18], $0x80  }
0x5f: {  	[sflag:s18] =	ssyncset.done $0x0  }
0x60: {  	[sflag:s18] =	ssyncadd.s32 $0xFFFFFF80  }
0x61: {  	_ =	swait.ge [sflag:s18], $0x80  }
0x62: {  	[sflag:s18] =	ssyncset.done $0x0  }
0x63: {  	[sflag:s18] =	ssyncadd.s32 $0xFFFFFF80  }
0x64: {  	_ =	swait.ge [sflag:s18], $0x80  }
0x65: {  	[sflag:s18] =	ssyncset.done $0x0  }
0x66: {  	[sflag:s18] =	ssyncadd.s32 $0xFFFFFF80  }
0x67: {  	_ =	swait.ge [sflag:s18], $0x80  }
0x68: {  	[sflag:s18] =	ssyncset.done $0x0  }
0x69: {  	s26 =	simm.s32 $0x0;
	[sflag:s18] =	ssyncadd.s32 $0xFFFFFF80  }
0x6a: {  	v0 =	vld [tilespmem:s26+$0x600]  }
0x6b: {  	v1 =	vld [tilespmem:s26+$0x300]  }
0x6c: {  	v2 =	vld [tilespmem:s26+$0x200]  }
0x6d: {  	v3 =	vld [tilespmem:s26+$0x500];
	_ =	sdelay $0x2  }
0x6e: {  	v4 =	vmul.f32 v0, v0  }
0x6f: {  	v5 =	vand.u32 $0x7FFFFFFF, v0;
	v6 =	vand.u32 $0x7FFFFFFF, v1;
	v7 =	vmul.f32 v0, v1  }
0x70: {  	v10 =	vmul.f32 v3, v2;
	v11 =	vand.u32 $0x7FFFFFFF, v3;
	v12 =	vand.u32 $0x7FFFFFFF, v2  }
0x71: {  	v8 =	vmax.f32 v5, v6;
	v9 =	vmin.f32 v5, v6;
	v13 =	vmax.f32 v11, v12  }
0x72: {  	v14 =	vmin.f32 v11, v12;
	v5 =	vadd.f32 v5, v6;
	v9 =	vsub.f32 v8, v9  }
0x73: {  	v8 =	vmul.f32 $1.000000010e-10, v8;
	v6 =	vsub.f32 v13, v14;
	v13 =	vmul.f32 $1.000000010e-10, v13  }
0x74: {  	v11 =	vadd.f32 v11, v12;
	v12 =	vmul.f32 v3, v3;
	v14 =	vmul.f32 v1, v1  }
0x75: {  	s28 =	simm.s32 $0x10;
	v8 =	vadd.f32 v8, v9;
	v9 =	vmul.f32 v2, v2;
	v6 =	vadd.f32 v13, v6  }
0x76: {  	vm0 =	vgt.f32 v10, $0.0e+00;
	vm1 =	vgt.f32 v7, $0.0e+00;
	v4 =	vadd.f32 v4, v12;
	v12 =	vld [tilespmem:s28+$0x200]  }
0x77: {  	v9 =	vadd.f32 v14, v9;
	v5 =	vsel vm1, v8, v5;
	v6 =	vsel vm0, v6, v11;
	v8 =	vld [tilespmem:s28+$0x600]  }
0x78: {  	v14 =	vld [tilespmem:s28+$0x500];
	v5 =	vmul.f32 v5, v5;
	v6 =	vmul.f32 v6, v6  }
0x79: {  	v4 =	vmul.f32 v4, v9  }
0x7a: {  	v9 =	vadd.f32 v5, v6  }
0x7b: {  	v15 =	vmul.f32 v3, v1;
	v6 =	vld [tilespmem:s28+$0x300];
	v5 =	vshra.s32 v4, $0x1  }
0x7c: {  	v10 =	vmul.f32 $5.000000000e-01, v4;
	v5 =	vsub.s32 $0x5F3759DF, v5;
	v11 =	vmul.f32 $5.000000000e-01, v9  }
0x7d: {  	v4 =	vshra.s32 v9, $0x1;
	v3 =	vmul.f32 v8, v8;
	v20 =	vmul.f32 v14, v12  }
0x7e: {  	v21 =	vand.u32 $0x7FFFFFFF, v14;
	v7 =	vmul.f32 v5, v10;
	v4 =	vsub.s32 $0x5F3759DF, v4  }
0x7f: {  	v25 =	vmul.f32 v14, v14;
	v13 =	vmul.f32 v4, v11;
	vm13 =	vgt.f32 v20, $0.0e+00  }
0x80: {  	v7 =	vmul.f32 v5, v7;
	v16 =	vand.u32 $0x7FFFFFFF, v6;
	v17 =	vmul.f32 v8, v6  }
0x81: {  	v24 =	vmul.f32 v6, v6;
	v1 =	vmul.f32 v4, v13;
	v13 =	vand.u32 $0x7FFFFFFF, v8  }
0x82: {  	v18 =	vmax.f32 v13, v16;
	v19 =	vmin.f32 v13, v16;
	v13 =	vadd.f32 v13, v16  }
0x83: {  	v16 =	vand.u32 $0x7FFFFFFF, v12;
	vm12 =	vgt.f32 v17, $0.0e+00;
	v19 =	vsub.f32 v18, v19  }
0x84: {  	v18 =	vmul.f32 $1.000000010e-10, v18;
	v22 =	vmax.f32 v21, v16;
	v23 =	vmin.f32 v21, v16  }
0x85: {  	v1 =	vsub.f32 $1.500000000e+00, v1;
	v23 =	vsub.f32 v22, v23;
	v22 =	vmul.f32 $1.000000010e-10, v22  }
0x86: {  	v16 =	vadd.f32 v21, v16;
	v18 =	vadd.f32 v18, v19;
	v19 =	vmul.f32 v12, v12  }
0x87: {  	v50 =	vmul.f32 v4, v1;
	v1 =	vadd.f32 v3, v25;
	v3 =	vadd.f32 v22, v23  }
0x88: {  	v8 =	vmul.f32 v8, v12;
	v19 =	vadd.f32 v24, v19;
	v4 =	vsel vm12, v18, v13  }
0x89: {  	v13 =	vmul.f32 v50, v11;
	v3 =	vsel vm13, v3, v16;
	v16 =	vmul.f32 v4, v4  }
0x8a: {  	v1 =	vmul.f32 v1, v19;
	v3 =	vmul.f32 v3, v3  }
0x8b: {  	v7 =	vsub.f32 $1.500000000e+00, v7;
	v17 =	vmul.f32 v0, v2;
	v13 =	vmul.f32 v13, v50  }
0x8c: {  	s29 =	simm.s32 $0x20;
	v0 =	vshra.s32 v1, $0x1;
	v4 =	vmul.f32 $5.000000000e-01, v1;
	v2 =	vadd.f32 v16, v3  }
0x8d: {  	v1 =	vld [tilespmem:s29+$0x600];
	v18 =	vsub.s32 $0x5F3759DF, v0;
	v0 =	vsub.f32 $1.500000000e+00, v13;
	v13 =	vmul.f32 v5, v7  }
0x8e: {  	v3 =	vmul.f32 v18, v4;
	v5 =	vshra.s32 v2, $0x1;
	v7 =	vmul.f32 $5.000000000e-01, v2  }
0x8f: {  	v16 =	vmul.f32 v0, v50;
	v0 =	vld [tilespmem:s29+$0x300];
	v19 =	vsub.s32 $0x5F3759DF, v5;
	v5 =	vmul.f32 v14, v6  }
0x90: {  	v6 =	vld [tilespmem:s29+$0x200];
	v51 =	vmul.f32 v13, v10;
	v14 =	vmul.f32 v19, v7  }
0x91: {  	vm14 =	vlt.f32 v9, $6.854102130e+00;
	v20 =	vmul.f32 v18, v3;
	v11 =	vmul.f32 v16, v11  }
0x92: {  	v17 =	vsub.f32 v15, v17;
	v3 =	vld [tilespmem:s29+$0x500];
	v15 =	vmul.f32 v1, v1;
	v12 =	vmul.f32 v19, v14  }
0x93: {  	v20 =	vsub.f32 $1.500000000e+00, v20;
	v14 =	vmul.f32 v51, v13;
	v9 =	vmul.f32 v11, v16  }
0x94: {  	v11 =	vand.u32 $0x7FFFFFFF, v1;
	v52 =	vand.u32 $0x7FFFFFFF, v0;
	v53 =	vmul.f32 v1, v0  }
0x95: {  	v14 =	vsub.f32 $1.500000000e+00, v14;
	v12 =	vsub.f32 $1.500000000e+00, v12;
	v59 =	vmul.f32 v6, v6  }
0x96: {  	v60 =	vmul.f32 v0, v0;
	v54 =	vmax.f32 v11, v52;
	v55 =	vmin.f32 v11, v52  }
0x97: {  	v56 =	vmul.f32 v3, v6;
	v26 =	vand.u32 $0x7FFFFFFF, v3;
	v11 =	vadd.f32 v11, v52  }
0x98: {  	v9 =	vsub.f32 $1.500000000e+00, v9;
	v14 =	vmul.f32 v14, v13;
	v13 =	vand.u32 $0x7FFFFFFF, v6  }
0x99: {  	v24 =	vsub.f32 v54, v55;
	v23 =	vmul.f32 $1.000000010e-10, v54;
	v58 =	vadd.f32 v26, v13  }
0x9a: {  	v27 =	vmax.f32 v26, v13;
	v13 =	vmin.f32 v26, v13;
	v10 =	vmul.f32 v14, v10  }
0x9b: {  	vm2 =	vgt.f32 v53, $0.0e+00;
	v28 =	vsub.f32 v27, v13;
	v13 =	vmul.f32 v3, v3  }
0x9c: {  	v9 =	vmul.f32 v9, v16;
	v57 =	vadd.f32 v23, v24;
	v10 =	vmul.f32 v10, v14  }
0x9d: {  	v61 =	vmul.f32 $1.000000010e-10, v27;
	v24 =	vadd.f32 v60, v59;
	v15 =	vadd.f32 v15, v13  }
0x9e: {  	v13 =	vmul.f32 v19, v12;
	v11 =	vsel vm2, v57, v11;
	v12 =	vsub.f32 $1.500000000e+00, v10  }
0x9f: {  	v11 =	vmul.f32 v11, v11;
	v10 =	vadd.f32 v61, v28;
	v15 =	vmul.f32 v15, v24  }
0xa0: {  	vm15 =	vgt.f32 v56, $0.0e+00;
	v19 =	vmul.f32 v13, v7;
	v63 =	vmul.f32 v12, v14;
	v14 =	vld [tilespmem:s26+$0x400]  }
0xa1: {  	v62 =	vsel vm15, v10, v58;
	v16 =	vshra.s32 v15, $0x1;
	v10 =	vmul.f32 $5.000000000e-01, v15  }
0xa2: {  	v19 =	vmul.f32 v19, v13;
	v15 =	vnsel vm14, $0x0, v9;
	v21 =	vmul.f32 v62, v62  }
0xa3: {  	v12 =	vmul.f32 v18, v20;
	v9 =	vsub.s32 $0x5F3759DF, v16;
	v16 =	vmul.f32 v63, v17  }
0xa4: {  	s30 =	simm.s32 $0xC0;
	[tilespmem:s26+$0x900] =	vst v15;
	v18 =	vmul.f32 v9, v10;
	v17 =	vsub.f32 $1.500000000e+00, v19;
	v11 =	vadd.f32 v11, v21  }
.LBB2_3:
0xa5: {  	s31 =	sshra.s32 s30, $0x2;
	p0 =	sne.s32 s30, $0x3C0;
	s30 =	sadd.s32 $0x40, s30;
	v14 =	vmul.f32 v15, v14;
	v15 =	vmul.f32 v15, v16  }
0xa6: {  	v16 =	vld [tilespmem:s31+$0x600];
	v19 =	vshra.s32 v11, $0x1;
	v20 =	vmul.f32 $5.000000000e-01, v11;
	v17 =	vmul.f32 v17, v13  }
0xa7: {  	v18 =	vmul.f32 v9, v18;
	v13 =	vsub.s32 $0x5F3759DF, v19;
	v19 =	vmul.f32 v3, v0;
	v0 =	vld [tilespmem:s31+$0x300];
	[tilespmem:s26+$0x800] =	vst v15  }
0xa8: {  	v22 =	vmul.f32 v12, v4;
	v15 =	vld [tilespmem:s31+$0x200];
	v21 =	vmul.f32 v13, v20;
	[tilespmem:s26+$0x700] =	vst v14;
	s26 =	smov.u32 s28;
	s28 =	smov.u32 s29;
	s29 =	smov.u32 s31  }
0xa9: {  	v6 =	vmul.f32 v1, v6;
	v18 =	vsub.f32 $1.500000000e+00, v18;
	v23 =	vmul.f32 v17, v7;
	v7 =	vmovc v20;
	v3 =	vld [tilespmem:s29+$0x500]  }
0xaa: {  	v20 =	vmul.f32 v22, v12;
	v14 =	vmul.f32 v13, v21;
	v21 =	vsub.f32 v5, v8;
	v5 =	vmovc v19  }
0xab: {  	vm0 =	vlt.f32 v2, $6.854102130e+00;
	v22 =	vmul.f32 v23, v17;
	v8 =	vmovc v6;
	v19 =	vmul.f32 v16, v16;
	v1 =	vmovc v16  }
0xac: {  	v2 =	vmovc v11;
	v16 =	vand.u32 $0x7FFFFFFF, v1;
	v23 =	vand.u32 $0x7FFFFFFF, v0;
	v24 =	vmul.f32 v1, v0  }
0xad: {  	v20 =	vsub.f32 $1.500000000e+00, v20;
	v11 =	vmax.f32 v16, v23;
	v25 =	vmin.f32 v16, v23;
	v6 =	vmovc v15  }
0xae: {  	v26 =	vmul.f32 v3, v6;
	v25 =	vsub.f32 v11, v25;
	v11 =	vmul.f32 $1.000000010e-10, v11  }
0xaf: {  	v12 =	vmul.f32 v20, v12;
	v16 =	vadd.f32 v16, v23;
	v27 =	vand.u32 $0x7FFFFFFF, v3  }
0xb0: {  	v14 =	vsub.f32 $1.500000000e+00, v14;
	v20 =	vand.u32 $0x7FFFFFFF, v6;
	v11 =	vadd.f32 v11, v25  }
0xb1: {  	v15 =	vmul.f32 v15, v6;
	v23 =	vadd.f32 v27, v20;
	v25 =	vmul.f32 v12, v4;
	v4 =	vmovc v10  }
0xb2: {  	v10 =	vmax.f32 v27, v20;
	v20 =	vmin.f32 v27, v20;
	v27 =	vmul.f32 v0, v0  }
0xb3: {  	v28 =	vmul.f32 v3, v3;
	v20 =	vsub.f32 v10, v20;
	v25 =	vmul.f32 v25, v12  }
0xb4: {  	vm1 =	vgt.f32 v26, $0.0e+00;
	v10 =	vmul.f32 $1.000000010e-10, v10;
	v15 =	vadd.f32 v27, v15  }
0xb5: {  	v13 =	vmul.f32 v13, v14;
	v19 =	vadd.f32 v19, v28;
	v25 =	vsub.f32 $1.500000000e+00, v25  }
0xb6: {  	vm2 =	vgt.f32 v24, $0.0e+00;
	v10 =	vadd.f32 v10, v20;
	v20 =	vsub.f32 $1.500000000e+00, v22  }
0xb7: {  	v11 =	vsel vm2, v11, v16;
	v16 =	vmul.f32 v13, v7;
	v15 =	vmul.f32 v19, v15  }
.Ltmp0:
0xb8: {  	v11 =	vmul.f32 v11, v11;
	v19 =	vsel vm1, v10, v23;
	v17 =	vmul.f32 v20, v17;
	v14 =	vld [tilespmem:s26+$0x400];
	(pc) =	sbr.rel @p0 .LBB2_3-.Ltmp0, $4  }
0xb9: {  	v20 =	vshra.s32 v15, $0x1;
	v10 =	vmul.f32 $5.000000000e-01, v15;
	v22 =	vmul.f32 v25, v12  }
0xba: {  	v23 =	vmul.f32 v16, v13;
	v19 =	vmul.f32 v19, v19;
	v15 =	vnsel vm0, $0x0, v17  }
0xbb: {  	v12 =	vmul.f32 v9, v18;
	v9 =	vsub.s32 $0x5F3759DF, v20;
	v16 =	vmul.f32 v22, v21;
	[tilespmem:s26+$0x900] =	vst v15  }
0xbc: {  	v17 =	vsub.f32 $1.500000000e+00, v23;
	v11 =	vadd.f32 v11, v19;
	v18 =	vmul.f32 v9, v10  }
0xbd: {  	_ = 	snop  }
0xbe: {  	v19 =	vshra.s32 v11, $0x1;
	v20 =	vmul.f32 $5.000000000e-01, v11  }
0xbf: {  	v19 =	vsub.s32 $0x5F3759DF, v19  }
0xc0: {  	v21 =	vmul.f32 v12, v4;
	v22 =	vmul.f32 v19, v20  }
0xc1: {  	v18 =	vmul.f32 v9, v18  }
0xc2: {  	v21 =	vmul.f32 v21, v12;
	v22 =	vmul.f32 v19, v22  }
0xc3: {  	v14 =	vmul.f32 v15, v14;
	v18 =	vsub.f32 $1.500000000e+00, v18  }
0xc4: {  	v45 =	vmul.f32 v15, v16;
	v21 =	vsub.f32 $1.500000000e+00, v21;
	v46 =	vsub.f32 $1.500000000e+00, v22  }
0xc5: {  	v13 =	vmul.f32 v17, v13;
	v48 =	vmul.f32 v9, v18  }
0xc6: {  	v47 =	vmul.f32 v21, v12;
	v16 =	vmul.f32 v19, v46  }
0xc7: {  	v7 =	vmul.f32 v13, v7;
	v50 =	vmul.f32 v48, v10  }
0xc8: {  	v49 =	vmul.f32 v47, v4;
	v51 =	vmul.f32 v16, v20  }
0xc9: {  	v7 =	vmul.f32 v7, v13;
	v17 =	vmul.f32 v50, v48  }
0xca: {  	[tilespmem:s26+$0x800] =	vst v45;
	v4 =	vmul.f32 v49, v47;
	v18 =	vmul.f32 v51, v16  }
0xcb: {  	[tilespmem:s26+$0x700] =	vst v14;
	v7 =	vsub.f32 $1.500000000e+00, v7;
	v52 =	vsub.f32 $1.500000000e+00, v17  }
0xcc: {  	v54 =	vld [tilespmem:s28+$0x400];
	v4 =	vsub.f32 $1.500000000e+00, v4;
	v53 =	vsub.f32 $1.500000000e+00, v18  }
0xcd: {  	v7 =	vmul.f32 v7, v13;
	v9 =	vmul.f32 v52, v48  }
0xce: {  	v5 =	vsub.f32 v5, v8;
	v4 =	vmul.f32 v4, v47;
	v55 =	vmul.f32 v53, v16  }
0xcf: {  	vm0 =	vlt.f32 v2, $6.854102130e+00;
	v57 =	vmul.f32 v9, v10  }
0xd0: {  	v58 =	vnsel vm0, $0x0, v7;
	v56 =	vmul.f32 v4, v5;
	v59 =	vmul.f32 v55, v20  }
0xd1: {  	v5 =	vmul.f32 v58, v54;
	v4 =	vmul.f32 v57, v9  }
0xd2: {  	[tilespmem:s28+$0x900] =	vst v58;
	v2 =	vmul.f32 v58, v56;
	v7 =	vmul.f32 v59, v55  }
0xd3: {  	v0 =	vmul.f32 v3, v0;
	v1 =	vmul.f32 v1, v6;
	[tilespmem:s28+$0x700] =	vst v5;
	v60 =	vsub.f32 $1.500000000e+00, v4  }
0xd4: {  	[tilespmem:s28+$0x800] =	vst v2;
	v61 =	vsub.f32 $1.500000000e+00, v7  }
0xd5: {  	v0 =	vsub.f32 v0, v1;
	v62 =	vld [tilespmem:s29+$0x400];
	v2 =	vmul.f32 v60, v9  }
0xd6: {  	v3 =	vmul.f32 v61, v55  }
0xd7: {  	vm15 =	vlt.f32 v11, $6.854102130e+00;
	v0 =	vmul.f32 v2, v0  }
0xd8: {  	v63 =	vnsel vm15, $0x0, v3  }
0xd9: {  	v0 =	vmul.f32 v63, v0  }
0xda: {  	[tilespmem:s29+$0x900] =	vst v63;
	v1 =	vmul.f32 v63, v62  }
0xdb: {  	[tilespmem:s29+$0x800] =	vst v0  }
0xdc: {  	[tilespmem:s29+$0x700] =	vst v1  }
0xdd: {  	[spmem:s2] =	stream.indirect.scatter.add.f32 [tilespmem:s19], [sflag:$0x3], $0x1, s22, s24, $0xb8;
	[tilespmem:$0x6BC0] =	vst v63  }
0xde: {  	_ =	swait.ge [sflag:s21], $0x80  }
0xdf: {  	[sflag:s21] =	ssyncset.done $0x0  }
0xe0: {  	[sflag:s21] =	ssyncadd.s32 $0xFFFFFF80  }
0xe1: {  	[spmem:s4] =	stream.indirect.scatter.add.f32 [tilespmem:s6], [sflag:$0x3], $0x1, s22, s24, $0xb8;
	[tilespmem:$0x6BC0] =	vst v63  }
0xe2: {  	_ =	swait.ge [sflag:s21], $0x80  }
0xe3: {  	[sflag:s21] =	ssyncset.done $0x0  }
0xe4: {  	[sflag:s21] =	ssyncadd.s32 $0xFFFFFF80  }
0xe5: {  	[spmem:s5] =	stream.indirect.scatter.add.f32 [tilespmem:s12], [sflag:$0x3], $0x1, s22, s24, $0xb8;
	[tilespmem:$0x6BC0] =	vst v63  }
0xe6: {  	_ =	swait.ge [sflag:s21], $0x80  }
0xe7: {  	[sflag:s21] =	ssyncset.done $0x0  }
0xe8: {  	[sflag:s21] =	ssyncadd.s32 $0xFFFFFF80  }
0xe9: {  	[spmem:s2] =	stream.indirect.scatter.add.f32 [tilespmem:s13], [sflag:$0x3], $0x1, s11, s24, $0xb8;
	[tilespmem:$0x6BC0] =	vst v63  }
0xea: {  	_ =	swait.ge [sflag:s21], $0x80  }
0xeb: {  	[sflag:s21] =	ssyncset.done $0x0  }
0xec: {  	[sflag:s21] =	ssyncadd.s32 $0xFFFFFF80  }
0xed: {  	[spmem:s4] =	stream.indirect.scatter.add.f32 [tilespmem:s14], [sflag:$0x3], $0x1, s11, s24, $0xb8;
	[tilespmem:$0x6BC0] =	vst v63  }
0xee: {  	s25 =	sadd.s32 $0x1, s25;
	_ =	swait.ge [sflag:s21], $0x80  }
0xef: {  	p0 =	sne.s32 s25, $0x310;
	[sflag:s21] =	ssyncset.done $0x0  }
.Ltmp1:
0xf0: {  	[sflag:s21] =	ssyncadd.s32 $0xFFFFFF80;
	(pc) =	sbr.rel @p0 .LBB2_2-.Ltmp1, $4  }
0xf1: {  	[spmem:s5] =	stream.indirect.scatter.add.f32 [tilespmem:s20], [sflag:$0x3], $0x1, s11, s24, $0xb8;
	[tilespmem:$0x6BC0] =	vst v63  }
0xf2: {  	_ =	swait.ge [sflag:s21], $0x80  }
0xf3: {  	[sflag:s21] =	ssyncset.done $0x0  }
0xf4: {  	[sflag:s21] =	ssyncadd.s32 $0xFFFFFF80  }
0xf5: {  	[bflag:$0x0] =	sbarrier.arrive $0xFFFF  }
0xf6: {  	s31 =	simm.s32 $0xA00;
	s28 =	rddreg [dreg:$0x7]  }
0xf7: {  	[tilespmem:s31], [sflag:$0x3] =	stream.linear.gather [spmem:s28], $0x1870, $0x38;
	[tilespmem:$0x6BC0] =	vst v63  }
0xf8: {  	_ =	swait.ge [sflag:s21], $0x1870  }
0xf9: {  	[sflag:s21] =	ssyncset.done $0x0  }
0xfa: {  	s25 =	simm.s32 $0x0;
	s26 =	rddreg [dreg:$0xb];
	[sflag:s21] =	ssyncadd.s32 $0xFFFFE790  }
0xfb: {  	[hbm4b:s26+s25] =	stream.linear.scatter [tilespmem:s31], [sflag:$0x3], $0x1870, $0x38;
	[tilespmem:$0x6BC0] =	vst v63  }
0xfc: {  	_ =	swait.ge [sflag:s21], $0x1870  }
0xfd: {  	[sflag:s21] =	ssyncset.done $0x0  }
0xfe: {  	s29 =	rddreg [dreg:$0x8];
	[sflag:s21] =	ssyncadd.s32 $0xFFFFE790  }
0xff: {  	[tilespmem:s31], [sflag:$0x3] =	stream.linear.gather [spmem:s29], $0x1870, $0x38;
	[tilespmem:$0x6BC0] =	vst v63  }
0x100: {  	_ =	swait.ge [sflag:s21], $0x1870  }
0x101: {  	[sflag:s21] =	ssyncset.done $0x0  }
0x102: {  	s0 =	rddreg [dreg:$0xc];
	[sflag:s21] =	ssyncadd.s32 $0xFFFFE790  }
0x103: {  	[hbm4b:s0+s25] =	stream.linear.scatter [tilespmem:s31], [sflag:$0x3], $0x1870, $0x38;
	[tilespmem:$0x6BC0] =	vst v63  }
0x104: {  	_ =	swait.ge [sflag:s21], $0x1870  }
0x105: {  	[sflag:s21] =	ssyncset.done $0x0  }
0x106: {  	s30 =	rddreg [dreg:$0x9];
	[sflag:s21] =	ssyncadd.s32 $0xFFFFE790  }
0x107: {  	[tilespmem:s31], [sflag:$0x3] =	stream.linear.gather [spmem:s30], $0x1870, $0x38;
	[tilespmem:$0x6BC0] =	vst v63  }
0x108: {  	_ =	swait.ge [sflag:s21], $0x1870  }
0x109: {  	[sflag:s21] =	ssyncset.done $0x0  }
0x10a: {  	s0 =	rddreg [dreg:$0xd];
	[sflag:s21] =	ssyncadd.s32 $0xFFFFE790  }
0x10b: {  	[hbm4b:s0+s25] =	stream.linear.scatter [tilespmem:s31], [sflag:$0x3], $0x1870, $0x38;
	[tilespmem:$0x6BC0] =	vst v63  }
0x10c: {  	_ =	swait.ge [sflag:s21], $0x1870  }
0x10d: {  	s0 =	rddreg [dreg:$0xe]  }
0x10e: {  	s26 =	rddreg [dreg:$0xa];
	s0 =	sadd.s32 $0x1, s0  }
0x10f: {  	p0 =	sne.s32 s0, s26  }
.Ltmp2:
0x110: {  	_ = 	snop;
	(pc) =	sbr.rel @p0 .LBB2_1-.Ltmp2, $3  }
0x111: {  	_ =	sdelay $0x1  }
0x112: {  	[sflag:s21] =	ssyncset.done $0x0  }
0x113: {  	[sflag:s21] =	ssyncadd.s32 $0xFFFFE790;
	[dreg:$0xe] =	wrdreg s0;
	s0 =	simm.s32 $0x380  }
0x114: {  	_ =	sfence.sel $0x180000  }
0x115: {  	[bflag:$0x0] =	sbarrier.arrive $0xFFFF  }
0x116: {  	_ =	strace $0x90000047  }
0x117: {  	s0 =	stileid.u32;
	[bflag:$0x2] =	sbarrier.arrive $0xFFFF  }
0x118: {  	p0 =	sne.s32 s0, $0x0;
	s0 =	rddreg [dreg:$0x5]  }
0x119: {  	s0 =	sadd.s32 @!p0 $0x100000, s0  }
0x11a: {  	[sflag:s0] =	ssyncadd.tile.s32 @!p0 $0x1;
	_ =	shalt  }
.Lfunc_end2:
_tile_overlayer_lowered:
.L_overlay_start_2:
0x11b: {  	(tag) =	ssettag $0x2  }
0x11c: {  	s0 =	rddreg [dreg:$0x0];
	s2 =	stileid.u32  }
0x11d: {  	s1 =	rddreg [dreg:$0x1];
	p0 =	sne.s32 s2, $0x0  }
0x11e: {  	s3 =	rddreg [dreg:$0x2];
	[bflag:$0x3] =	sbarrier.arrive $0xFFFF;
	s2 =	simm.s32 @!p0 $0x1C03  }
0x11f: {  	[timem:s3], [sflag:s2] =	dma.local @!p0 [hbm:s0], s1  }
0x120: {  	s0 =	simm.s32 @!p0 $0x3  }
0x121: {  	_ =	swait.ge @!p0 [sflag:s0], s1  }
0x122: {  	s1 =	ssub.s32 @!p0 $0x0, s1;
	[sflag:s0] =	ssyncset.done @!p0 $0x0  }
0x123: {  	[sflag:s0] =	ssyncadd.s32 @!p0 s1  }
0x124: {  	[bflag:$0x3] =	sbarrier.arrive $0xFFFF  }
0x125: {  	_ =	shalt  }

</sc_bundles>
